<compile_context>
chip_gen: v7x
topology: tpu7x:2x2x1
jax: 0.10.2.dev20260603
libtpu: 0.0.44.dev20260713+nightly
codegen_flags: <defaults>
</compile_context>

<pallas_src>
import functools

import jax
import jax.numpy as jnp
from jax import lax
from jax.experimental import pallas as pl
from jax.experimental.pallas import tpu as pltpu
from jax.experimental.pallas import tpu_sc as plsc

B = 256
IN_F = 4096
OUT_F = 4096

NC = 2
NS = 16
NW = NC * NS
BPW = B // NW
PPW = BPW // 2

EDGE_CHUNK = 2048
CHUNK_WORDS = 2 * EDGE_CHUNK
LANES = 16


@functools.lru_cache(maxsize=None)
def _build(n_chunks: int):
    mesh = plsc.VectorSubcoreMesh(core_axis_name="c", subcore_axis_name="s")

    @functools.partial(
        pl.kernel,
        mesh=mesh,
        out_type=jax.ShapeDtypeStruct((B, OUT_F), jnp.float32),
        compiler_params=pltpu.CompilerParams(needs_layout_passes=False),
        scratch_types=[
            pltpu.VMEM((PPW * IN_F,), jnp.int32),
            pltpu.VMEM((BPW * OUT_F,), jnp.float32),
            pltpu.VMEM((2 * CHUNK_WORDS + LANES,), jnp.int32),
            pltpu.SemaphoreType.DMA,
        ],
    )
    def spmm(xpk_hbm, edges_hbm, bias_hbm, out_hbm, x_v, acc_v, edge_v, sem):
        wid = lax.axis_index("s") * NC + lax.axis_index("c")
        b0 = wid * BPW
        p0 = wid * PPW

        stage = []
        for p in range(PPW):
            stage.append(pltpu.async_copy(
                xpk_hbm.at[p0 + p], x_v.at[pl.ds(p * IN_F, IN_F)], sem))
        for b in range(BPW):
            stage.append(pltpu.async_copy(
                bias_hbm, acc_v.at[pl.ds(b * OUT_F, OUT_F)], sem))
        for h in stage:
            h.wait()

        def fire(chunk, buf):
            pltpu.async_copy(
                edges_hbm.at[pl.ds(chunk * CHUNK_WORDS, CHUNK_WORDS)],
                edge_v.at[pl.ds(buf * CHUNK_WORDS, CHUNK_WORDS)], sem)

        def wait(buf):
            pltpu.make_async_copy(
                edges_hbm.at[pl.ds(0, CHUNK_WORDS)],
                edge_v.at[pl.ds(buf * CHUNK_WORDS, CHUNK_WORDS)], sem).wait()

        xp_rows = [x_v.at[pl.ds(p * IN_F, IN_F)] for p in range(PPW)]
        acc_rows = [acc_v.at[pl.ds(b * OUT_F, OUT_F)] for b in range(BPW)]

        def compute(buf):
            base = buf * CHUNK_WORDS

            def load(g):
                return (edge_v[pl.ds(base + g * LANES, LANES)],
                        edge_v[pl.ds(base + EDGE_CHUNK + g * LANES, LANES)])

            @plsc.parallel_loop(0, EDGE_CHUNK // LANES, unroll=2)
            def group(g):
                rc16, vi16 = load(g)
                c16 = rc16 & (IN_F - 1)
                r16 = lax.shift_right_logical(rc16, 16)
                v16 = plsc.bitcast(vi16, jnp.float32)
                xis = [plsc.load_gather(xp_rows[p], [c16]) for p in range(PPW)]
                for p in range(PPW):
                    lo, hi = plsc.unpack(
                        plsc.bitcast(xis[p], jnp.bfloat16),
                        format=plsc.PackFormat.INTERLEAVED,
                        preferred_element_type=jnp.float32)
                    plsc.addupdate_scatter(acc_rows[2 * p], [r16], lo * v16)
                    plsc.addupdate_scatter(acc_rows[2 * p + 1], [r16], hi * v16)

        fire(0, 0)
        fire(1, 1)

        def step(k, carry):
            for buf in range(2):
                wait(buf)
                compute(buf)
                fire(2 * k + 2 + buf, buf)
            return carry

        lax.fori_loop(0, n_chunks // 2 - 1, step, 0)
        for buf in range(2):
            wait(buf)
            compute(buf)

        drain = [pltpu.async_copy(acc_v.at[pl.ds(b * OUT_F, OUT_F)],
                                  out_hbm.at[b0 + b], sem)
                 for b in range(BPW)]
        for h in drain:
            h.wait()

    return spmm


def kernel(input, values, bias, row_idx, col_idx):
    nnz = values.shape[0]
    n_chunks = -(-nnz // EDGE_CHUNK)
    if n_chunks % 2:
        n_chunks += 1
    pad = n_chunks * EDGE_CHUNK - nnz
    if pad:
        row_idx = jnp.concatenate([row_idx, jnp.zeros((pad,), row_idx.dtype)])
        col_idx = jnp.concatenate([col_idx, jnp.zeros((pad,), col_idx.dtype)])
        values = jnp.concatenate([values, jnp.zeros((pad,), values.dtype)])
    rc = (row_idx.astype(jnp.int32) << 16) | col_idx.astype(jnp.int32)
    vi = jax.lax.bitcast_convert_type(values, jnp.int32)
    edges = jnp.stack([rc.reshape(n_chunks, EDGE_CHUNK),
                       vi.reshape(n_chunks, EDGE_CHUNK)], axis=1).reshape(-1)
    xb = input.astype(jnp.bfloat16).reshape(B // 2, 2, IN_F)
    pairs = jnp.stack([xb[:, 0], xb[:, 1]], axis=-1)
    x_packed = jax.lax.bitcast_convert_type(pairs, jnp.int32)
    return _build(n_chunks)(x_packed, edges, bias)

# --- scband reference (transcript-rebuilt; emitter-appended) ---
"""Pipeline reference for scband-sparse-linear-49512382988829 (READ-ONLY COPY).

The authoritative reference and input builder live on the scoring server;
editing this copy changes nothing except your own understanding.
"""

import jax, jax.numpy as jnp
import numpy as np
import math

IN_F = 4096
OUT_F = 4096
SPARSITY = 0.99
BATCH = 256


def setup_inputs(seed: int = 0) -> dict:
    key = jax.random.key(seed)
    k1, k2, k3, k4, k5 = jax.random.split(key, 5)
    nnz = math.ceil(IN_F * OUT_F * (1.0 - SPARSITY))
    # Erdos-Renyi style random edges (to_node=row in [0,OUT_F), from_node=col in [0,IN_F))
    row_idx = jax.random.randint(k1, (nnz,), 0, OUT_F, dtype=jnp.int32)
    col_idx = jax.random.randint(k2, (nnz,), 0, IN_F, dtype=jnp.int32)
    # fan-in per output row, kaiming-uniform-like bound per row
    fan_in = jnp.bincount(row_idx, length=OUT_F)
    bound = jnp.sqrt(3.0) / jnp.sqrt(jnp.maximum(fan_in, 1).astype(jnp.float32))
    values = jax.random.uniform(k3, (nnz,), minval=-1.0, maxval=1.0, dtype=jnp.float32) * bound[row_idx]
    bias = jax.random.uniform(k4, (OUT_F,), minval=-1.0, maxval=1.0, dtype=jnp.float32) * bound
    x = jax.random.normal(k5, (BATCH, IN_F), dtype=jnp.float32)
    return {"input": x, "values": values, "bias": bias, "row_idx": row_idx, "col_idx": col_idx}


def reference(input, values, bias, row_idx, col_idx):
    # torch.sparse.addmm(bias.unsqueeze(1), W_csr, input.T).T
    # == (W @ input.T + bias[:, None]).T with W in COO form (row_idx, col_idx, values)
    gathered = input[:, col_idx] * values[None, :]  # [B, nnz]
    out_t = jax.ops.segment_sum(gathered.T, row_idx, num_segments=OUT_F)  # [OUT_F, B]
    return (out_t + bias[:, None]).T  # [B, OUT_F]

if __name__ == "__main__":
    import jax
    _d = setup_inputs()
    print(jax.jit(kernel)(*tuple(_d.values())))

</pallas_src>

<mosaic_0001>
#map = affine_map<(d0, d1) -> (0, 0)>
#map1 = affine_map<(d0, d1) -> (0)>
module attributes {stable_mosaic.version = 14 : i64} {
  func.func @spmm(%arg0: i32, %arg1: i32, %arg2: memref<128x4096xi32, #tpu.memory_space<hbm>>, %arg3: memref<335872xi32, #tpu.memory_space<hbm>>, %arg4: memref<4096xf32, #tpu.memory_space<hbm>>, %arg5: memref<256x4096xf32, #tpu.memory_space<hbm>>, %arg6: memref<16384xi32, #tpu.memory_space<vmem>>, %arg7: memref<32768xf32, #tpu.memory_space<vmem>>, %arg8: memref<8208xi32, #tpu.memory_space<vmem>>, %arg9: memref<!tpu.dma_semaphore, #tpu.memory_space<semaphore_mem>>) attributes {dimension_semantics = [#tpu.dimension_semantics<core_parallel>, #tpu.dimension_semantics<subcore_parallel>], iteration_bounds = array<i64: 2, 16>, scalar_prefetch = 0 : i64, scratch_operands = 4 : i64, tpu.core_type = #tpu.core_type<sc_vector_subcore>, window_params = [{transform_indices = #map}, {transform_indices = #map1}, {transform_indices = #map1}, {transform_indices = #map}]} {
    %mul3A = arith.constant 2 : i32
    %mul3A_0 = arith.muli %arg1, %mul3A : i32
    %add3A = arith.addi %mul3A_0, %arg0 : i32
    %mul3A_1 = arith.constant 8 : i32
    %mul3A_2 = arith.muli %add3A, %mul3A_1 : i32
    %mul3A_3 = arith.constant 4 : i32
    %mul3A_4 = arith.muli %add3A, %mul3A_3 : i32
    %add3A_5 = arith.constant 0 : i32
    %add3A_6 = arith.addi %mul3A_4, %add3A_5 : i32
    %dma_start3A = arith.constant 0 : i32
    %dma_start3A_7 = tpu.memref_slice %arg6[%dma_start3A] : memref<16384xi32, #tpu.memory_space<vmem>> -> memref<4096xi32, #tpu.memory_space<vmem>>
    %dma_start3A_8 = arith.constant 0 : i32
    %dma_start3A_9 = tpu.memref_slice %arg2[%add3A_6, %dma_start3A_8] : memref<128x4096xi32, #tpu.memory_space<hbm>> -> memref<1x4096xi32, #tpu.memory_space<hbm>>
    %dma_start3A_10 = tpu.memref_squeeze %dma_start3A_9 : memref<1x4096xi32, #tpu.memory_space<hbm>> -> memref<4096xi32, #tpu.memory_space<hbm>>
    %dma_start3A_11 = arith.constant 0 : i32
    %dma_start3A_12 = tpu.memref_slice %arg6[%dma_start3A_11] : memref<16384xi32, #tpu.memory_space<vmem>> -> memref<4096xi32, #tpu.memory_space<vmem>>
    %dma_start3A_13 = arith.constant 0 : i32
    %dma_start3A_14 = tpu.memref_slice %arg2[%add3A_6, %dma_start3A_13] : memref<128x4096xi32, #tpu.memory_space<hbm>> -> memref<1x4096xi32, #tpu.memory_space<hbm>>
    %dma_start3A_15 = tpu.memref_squeeze %dma_start3A_14 : memref<1x4096xi32, #tpu.memory_space<hbm>> -> memref<4096xi32, #tpu.memory_space<hbm>>
    tpu.enqueue_dma source(%dma_start3A_15 : memref<4096xi32, #tpu.memory_space<hbm>>) target(%dma_start3A_12 : memref<4096xi32, #tpu.memory_space<vmem>>) target_semaphore(%arg9 : memref<!tpu.dma_semaphore, #tpu.memory_space<semaphore_mem>>)
    %add3A_16 = arith.constant 1 : i32
    %add3A_17 = arith.addi %mul3A_4, %add3A_16 : i32
    %dma_start3A_18 = arith.constant 4096 : i32
    %dma_start3A_19 = tpu.memref_slice %arg6[%dma_start3A_18] : memref<16384xi32, #tpu.memory_space<vmem>> -> memref<4096xi32, #tpu.memory_space<vmem>>
    %dma_start3A_20 = arith.constant 0 : i32
    %dma_start3A_21 = tpu.memref_slice %arg2[%add3A_17, %dma_start3A_20] : memref<128x4096xi32, #tpu.memory_space<hbm>> -> memref<1x4096xi32, #tpu.memory_space<hbm>>
    %dma_start3A_22 = tpu.memref_squeeze %dma_start3A_21 : memref<1x4096xi32, #tpu.memory_space<hbm>> -> memref<4096xi32, #tpu.memory_space<hbm>>
    %dma_start3A_23 = arith.constant 4096 : i32
    %dma_start3A_24 = tpu.memref_slice %arg6[%dma_start3A_23] : memref<16384xi32, #tpu.memory_space<vmem>> -> memref<4096xi32, #tpu.memory_space<vmem>>
    %dma_start3A_25 = arith.constant 0 : i32
    %dma_start3A_26 = tpu.memref_slice %arg2[%add3A_17, %dma_start3A_25] : memref<128x4096xi32, #tpu.memory_space<hbm>> -> memref<1x4096xi32, #tpu.memory_space<hbm>>
    %dma_start3A_27 = tpu.memref_squeeze %dma_start3A_26 : memref<1x4096xi32, #tpu.memory_space<hbm>> -> memref<4096xi32, #tpu.memory_space<hbm>>
    tpu.enqueue_dma source(%dma_start3A_27 : memref<4096xi32, #tpu.memory_space<hbm>>) target(%dma_start3A_24 : memref<4096xi32, #tpu.memory_space<vmem>>) target_semaphore(%arg9 : memref<!tpu.dma_semaphore, #tpu.memory_space<semaphore_mem>>)
    %add3A_28 = arith.constant 2 : i32
    %add3A_29 = arith.addi %mul3A_4, %add3A_28 : i32
    %dma_start3A_30 = arith.constant 8192 : i32
    %dma_start3A_31 = tpu.memref_slice %arg6[%dma_start3A_30] : memref<16384xi32, #tpu.memory_space<vmem>> -> memref<4096xi32, #tpu.memory_space<vmem>>
    %dma_start3A_32 = arith.constant 0 : i32
    %dma_start3A_33 = tpu.memref_slice %arg2[%add3A_29, %dma_start3A_32] : memref<128x4096xi32, #tpu.memory_space<hbm>> -> memref<1x4096xi32, #tpu.memory_space<hbm>>
    %dma_start3A_34 = tpu.memref_squeeze %dma_start3A_33 : memref<1x4096xi32, #tpu.memory_space<hbm>> -> memref<4096xi32, #tpu.memory_space<hbm>>
    %dma_start3A_35 = arith.constant 8192 : i32
    %dma_start3A_36 = tpu.memref_slice %arg6[%dma_start3A_35] : memref<16384xi32, #tpu.memory_space<vmem>> -> memref<4096xi32, #tpu.memory_space<vmem>>
    %dma_start3A_37 = arith.constant 0 : i32
    %dma_start3A_38 = tpu.memref_slice %arg2[%add3A_29, %dma_start3A_37] : memref<128x4096xi32, #tpu.memory_space<hbm>> -> memref<1x4096xi32, #tpu.memory_space<hbm>>
    %dma_start3A_39 = tpu.memref_squeeze %dma_start3A_38 : memref<1x4096xi32, #tpu.memory_space<hbm>> -> memref<4096xi32, #tpu.memory_space<hbm>>
    tpu.enqueue_dma source(%dma_start3A_39 : memref<4096xi32, #tpu.memory_space<hbm>>) target(%dma_start3A_36 : memref<4096xi32, #tpu.memory_space<vmem>>) target_semaphore(%arg9 : memref<!tpu.dma_semaphore, #tpu.memory_space<semaphore_mem>>)
    %add3A_40 = arith.constant 3 : i32
    %add3A_41 = arith.addi %mul3A_4, %add3A_40 : i32
    %dma_start3A_42 = arith.constant 12288 : i32
    %dma_start3A_43 = tpu.memref_slice %arg6[%dma_start3A_42] : memref<16384xi32, #tpu.memory_space<vmem>> -> memref<4096xi32, #tpu.memory_space<vmem>>
    %dma_start3A_44 = arith.constant 0 : i32
    %dma_start3A_45 = tpu.memref_slice %arg2[%add3A_41, %dma_start3A_44] : memref<128x4096xi32, #tpu.memory_space<hbm>> -> memref<1x4096xi32, #tpu.memory_space<hbm>>
    %dma_start3A_46 = tpu.memref_squeeze %dma_start3A_45 : memref<1x4096xi32, #tpu.memory_space<hbm>> -> memref<4096xi32, #tpu.memory_space<hbm>>
    %dma_start3A_47 = arith.constant 12288 : i32
    %dma_start3A_48 = tpu.memref_slice %arg6[%dma_start3A_47] : memref<16384xi32, #tpu.memory_space<vmem>> -> memref<4096xi32, #tpu.memory_space<vmem>>
    %dma_start3A_49 = arith.constant 0 : i32
    %dma_start3A_50 = tpu.memref_slice %arg2[%add3A_41, %dma_start3A_49] : memref<128x4096xi32, #tpu.memory_space<hbm>> -> memref<1x4096xi32, #tpu.memory_space<hbm>>
    %dma_start3A_51 = tpu.memref_squeeze %dma_start3A_50 : memref<1x4096xi32, #tpu.memory_space<hbm>> -> memref<4096xi32, #tpu.memory_space<hbm>>
    tpu.enqueue_dma source(%dma_start3A_51 : memref<4096xi32, #tpu.memory_space<hbm>>) target(%dma_start3A_48 : memref<4096xi32, #tpu.memory_space<vmem>>) target_semaphore(%arg9 : memref<!tpu.dma_semaphore, #tpu.memory_space<semaphore_mem>>)
    %dma_start3A_52 = arith.constant 0 : i32
    %dma_start3A_53 = tpu.memref_slice %arg7[%dma_start3A_52] : memref<32768xf32, #tpu.memory_space<vmem>> -> memref<4096xf32, #tpu.memory_space<vmem>>
    %dma_start3A_54 = arith.constant 0 : i32
    %dma_start3A_55 = tpu.memref_slice %arg7[%dma_start3A_54] : memref<32768xf32, #tpu.memory_space<vmem>> -> memref<4096xf32, #tpu.memory_space<vmem>>
    tpu.enqueue_dma source(%arg4 : memref<4096xf32, #tpu.memory_space<hbm>>) target(%dma_start3A_55 : memref<4096xf32, #tpu.memory_space<vmem>>) target_semaphore(%arg9 : memref<!tpu.dma_semaphore, #tpu.memory_space<semaphore_mem>>)
    %dma_start3A_56 = arith.constant 4096 : i32
    %dma_start3A_57 = tpu.memref_slice %arg7[%dma_start3A_56] : memref<32768xf32, #tpu.memory_space<vmem>> -> memref<4096xf32, #tpu.memory_space<vmem>>
    %dma_start3A_58 = arith.constant 4096 : i32
    %dma_start3A_59 = tpu.memref_slice %arg7[%dma_start3A_58] : memref<32768xf32, #tpu.memory_space<vmem>> -> memref<4096xf32, #tpu.memory_space<vmem>>
    tpu.enqueue_dma source(%arg4 : memref<4096xf32, #tpu.memory_space<hbm>>) target(%dma_start3A_59 : memref<4096xf32, #tpu.memory_space<vmem>>) target_semaphore(%arg9 : memref<!tpu.dma_semaphore, #tpu.memory_space<semaphore_mem>>)
    %dma_start3A_60 = arith.constant 8192 : i32
    %dma_start3A_61 = tpu.memref_slice %arg7[%dma_start3A_60] : memref<32768xf32, #tpu.memory_space<vmem>> -> memref<4096xf32, #tpu.memory_space<vmem>>
    %dma_start3A_62 = arith.constant 8192 : i32
    %dma_start3A_63 = tpu.memref_slice %arg7[%dma_start3A_62] : memref<32768xf32, #tpu.memory_space<vmem>> -> memref<4096xf32, #tpu.memory_space<vmem>>
    tpu.enqueue_dma source(%arg4 : memref<4096xf32, #tpu.memory_space<hbm>>) target(%dma_start3A_63 : memref<4096xf32, #tpu.memory_space<vmem>>) target_semaphore(%arg9 : memref<!tpu.dma_semaphore, #tpu.memory_space<semaphore_mem>>)
    %dma_start3A_64 = arith.constant 12288 : i32
    %dma_start3A_65 = tpu.memref_slice %arg7[%dma_start3A_64] : memref<32768xf32, #tpu.memory_space<vmem>> -> memref<4096xf32, #tpu.memory_space<vmem>>
    %dma_start3A_66 = arith.constant 12288 : i32
    %dma_start3A_67 = tpu.memref_slice %arg7[%dma_start3A_66] : memref<32768xf32, #tpu.memory_space<vmem>> -> memref<4096xf32, #tpu.memory_space<vmem>>
    tpu.enqueue_dma source(%arg4 : memref<4096xf32, #tpu.memory_space<hbm>>) target(%dma_start3A_67 : memref<4096xf32, #tpu.memory_space<vmem>>) target_semaphore(%arg9 : memref<!tpu.dma_semaphore, #tpu.memory_space<semaphore_mem>>)
    %dma_start3A_68 = arith.constant 16384 : i32
    %dma_start3A_69 = tpu.memref_slice %arg7[%dma_start3A_68] : memref<32768xf32, #tpu.memory_space<vmem>> -> memref<4096xf32, #tpu.memory_space<vmem>>
    %dma_start3A_70 = arith.constant 16384 : i32
    %dma_start3A_71 = tpu.memref_slice %arg7[%dma_start3A_70] : memref<32768xf32, #tpu.memory_space<vmem>> -> memref<4096xf32, #tpu.memory_space<vmem>>
    tpu.enqueue_dma source(%arg4 : memref<4096xf32, #tpu.memory_space<hbm>>) target(%dma_start3A_71 : memref<4096xf32, #tpu.memory_space<vmem>>) target_semaphore(%arg9 : memref<!tpu.dma_semaphore, #tpu.memory_space<semaphore_mem>>)
    %dma_start3A_72 = arith.constant 20480 : i32
    %dma_start3A_73 = tpu.memref_slice %arg7[%dma_start3A_72] : memref<32768xf32, #tpu.memory_space<vmem>> -> memref<4096xf32, #tpu.memory_space<vmem>>
    %dma_start3A_74 = arith.constant 20480 : i32
    %dma_start3A_75 = tpu.memref_slice %arg7[%dma_start3A_74] : memref<32768xf32, #tpu.memory_space<vmem>> -> memref<4096xf32, #tpu.memory_space<vmem>>
    tpu.enqueue_dma source(%arg4 : memref<4096xf32, #tpu.memory_space<hbm>>) target(%dma_start3A_75 : memref<4096xf32, #tpu.memory_space<vmem>>) target_semaphore(%arg9 : memref<!tpu.dma_semaphore, #tpu.memory_space<semaphore_mem>>)
    %dma_start3A_76 = arith.constant 24576 : i32
    %dma_start3A_77 = tpu.memref_slice %arg7[%dma_start3A_76] : memref<32768xf32, #tpu.memory_space<vmem>> -> memref<4096xf32, #tpu.memory_space<vmem>>
    %dma_start3A_78 = arith.constant 24576 : i32
    %dma_start3A_79 = tpu.memref_slice %arg7[%dma_start3A_78] : memref<32768xf32, #tpu.memory_space<vmem>> -> memref<4096xf32, #tpu.memory_space<vmem>>
    tpu.enqueue_dma source(%arg4 : memref<4096xf32, #tpu.memory_space<hbm>>) target(%dma_start3A_79 : memref<4096xf32, #tpu.memory_space<vmem>>) target_semaphore(%arg9 : memref<!tpu.dma_semaphore, #tpu.memory_space<semaphore_mem>>)
    %dma_start3A_80 = arith.constant 28672 : i32
    %dma_start3A_81 = tpu.memref_slice %arg7[%dma_start3A_80] : memref<32768xf32, #tpu.memory_space<vmem>> -> memref<4096xf32, #tpu.memory_space<vmem>>
    %dma_start3A_82 = arith.constant 28672 : i32
    %dma_start3A_83 = tpu.memref_slice %arg7[%dma_start3A_82] : memref<32768xf32, #tpu.memory_space<vmem>> -> memref<4096xf32, #tpu.memory_space<vmem>>
    tpu.enqueue_dma source(%arg4 : memref<4096xf32, #tpu.memory_space<hbm>>) target(%dma_start3A_83 : memref<4096xf32, #tpu.memory_space<vmem>>) target_semaphore(%arg9 : memref<!tpu.dma_semaphore, #tpu.memory_space<semaphore_mem>>)
    %dma_wait3A = arith.constant 0 : i32
    %dma_wait3A_84 = tpu.memref_slice %arg6[%dma_wait3A] : memref<16384xi32, #tpu.memory_space<vmem>> -> memref<4096xi32, #tpu.memory_space<vmem>>
    %dma_wait3A_85 = arith.constant 0 : i32
    %dma_wait3A_86 = tpu.memref_slice %arg2[%add3A_6, %dma_wait3A_85] : memref<128x4096xi32, #tpu.memory_space<hbm>> -> memref<1x4096xi32, #tpu.memory_space<hbm>>
    %dma_wait3A_87 = tpu.memref_squeeze %dma_wait3A_86 : memref<1x4096xi32, #tpu.memory_space<hbm>> -> memref<4096xi32, #tpu.memory_space<hbm>>
    %dma_wait3A_88 = arith.constant 0 : i32
    %dma_wait3A_89 = tpu.memref_slice %arg6[%dma_wait3A_88] : memref<16384xi32, #tpu.memory_space<vmem>> -> memref<4096xi32, #tpu.memory_space<vmem>>
    %dma_wait3A_90 = arith.constant 0 : i32
    %dma_wait3A_91 = tpu.memref_slice %arg2[%add3A_6, %dma_wait3A_90] : memref<128x4096xi32, #tpu.memory_space<hbm>> -> memref<1x4096xi32, #tpu.memory_space<hbm>>
    %dma_wait3A_92 = tpu.memref_squeeze %dma_wait3A_91 : memref<1x4096xi32, #tpu.memory_space<hbm>> -> memref<4096xi32, #tpu.memory_space<hbm>>
    tpu.wait_dma2 semaphore(%arg9 : memref<!tpu.dma_semaphore, #tpu.memory_space<semaphore_mem>>) src(%dma_wait3A_92 : memref<4096xi32, #tpu.memory_space<hbm>>) dst(%dma_wait3A_89 : memref<4096xi32, #tpu.memory_space<vmem>>)
    %dma_wait3A_93 = arith.constant 4096 : i32
    %dma_wait3A_94 = tpu.memref_slice %arg6[%dma_wait3A_93] : memref<16384xi32, #tpu.memory_space<vmem>> -> memref<4096xi32, #tpu.memory_space<vmem>>
    %dma_wait3A_95 = arith.constant 0 : i32
    %dma_wait3A_96 = tpu.memref_slice %arg2[%add3A_17, %dma_wait3A_95] : memref<128x4096xi32, #tpu.memory_space<hbm>> -> memref<1x4096xi32, #tpu.memory_space<hbm>>
    %dma_wait3A_97 = tpu.memref_squeeze %dma_wait3A_96 : memref<1x4096xi32, #tpu.memory_space<hbm>> -> memref<4096xi32, #tpu.memory_space<hbm>>
    %dma_wait3A_98 = arith.constant 4096 : i32
    %dma_wait3A_99 = tpu.memref_slice %arg6[%dma_wait3A_98] : memref<16384xi32, #tpu.memory_space<vmem>> -> memref<4096xi32, #tpu.memory_space<vmem>>
    %dma_wait3A_100 = arith.constant 0 : i32
    %dma_wait3A_101 = tpu.memref_slice %arg2[%add3A_17, %dma_wait3A_100] : memref<128x4096xi32, #tpu.memory_space<hbm>> -> memref<1x4096xi32, #tpu.memory_space<hbm>>
    %dma_wait3A_102 = tpu.memref_squeeze %dma_wait3A_101 : memref<1x4096xi32, #tpu.memory_space<hbm>> -> memref<4096xi32, #tpu.memory_space<hbm>>
    tpu.wait_dma2 semaphore(%arg9 : memref<!tpu.dma_semaphore, #tpu.memory_space<semaphore_mem>>) src(%dma_wait3A_102 : memref<4096xi32, #tpu.memory_space<hbm>>) dst(%dma_wait3A_99 : memref<4096xi32, #tpu.memory_space<vmem>>)
    %dma_wait3A_103 = arith.constant 8192 : i32
    %dma_wait3A_104 = tpu.memref_slice %arg6[%dma_wait3A_103] : memref<16384xi32, #tpu.memory_space<vmem>> -> memref<4096xi32, #tpu.memory_space<vmem>>
    %dma_wait3A_105 = arith.constant 0 : i32
    %dma_wait3A_106 = tpu.memref_slice %arg2[%add3A_29, %dma_wait3A_105] : memref<128x4096xi32, #tpu.memory_space<hbm>> -> memref<1x4096xi32, #tpu.memory_space<hbm>>
    %dma_wait3A_107 = tpu.memref_squeeze %dma_wait3A_106 : memref<1x4096xi32, #tpu.memory_space<hbm>> -> memref<4096xi32, #tpu.memory_space<hbm>>
    %dma_wait3A_108 = arith.constant 8192 : i32
    %dma_wait3A_109 = tpu.memref_slice %arg6[%dma_wait3A_108] : memref<16384xi32, #tpu.memory_space<vmem>> -> memref<4096xi32, #tpu.memory_space<vmem>>
    %dma_wait3A_110 = arith.constant 0 : i32
    %dma_wait3A_111 = tpu.memref_slice %arg2[%add3A_29, %dma_wait3A_110] : memref<128x4096xi32, #tpu.memory_space<hbm>> -> memref<1x4096xi32, #tpu.memory_space<hbm>>
    %dma_wait3A_112 = tpu.memref_squeeze %dma_wait3A_111 : memref<1x4096xi32, #tpu.memory_space<hbm>> -> memref<4096xi32, #tpu.memory_space<hbm>>
    tpu.wait_dma2 semaphore(%arg9 : memref<!tpu.dma_semaphore, #tpu.memory_space<semaphore_mem>>) src(%dma_wait3A_112 : memref<4096xi32, #tpu.memory_space<hbm>>) dst(%dma_wait3A_109 : memref<4096xi32, #tpu.memory_space<vmem>>)
    %dma_wait3A_113 = arith.constant 12288 : i32
    %dma_wait3A_114 = tpu.memref_slice %arg6[%dma_wait3A_113] : memref<16384xi32, #tpu.memory_space<vmem>> -> memref<4096xi32, #tpu.memory_space<vmem>>
    %dma_wait3A_115 = arith.constant 0 : i32
    %dma_wait3A_116 = tpu.memref_slice %arg2[%add3A_41, %dma_wait3A_115] : memref<128x4096xi32, #tpu.memory_space<hbm>> -> memref<1x4096xi32, #tpu.memory_space<hbm>>
    %dma_wait3A_117 = tpu.memref_squeeze %dma_wait3A_116 : memref<1x4096xi32, #tpu.memory_space<hbm>> -> memref<4096xi32, #tpu.memory_space<hbm>>
    %dma_wait3A_118 = arith.constant 12288 : i32
    %dma_wait3A_119 = tpu.memref_slice %arg6[%dma_wait3A_118] : memref<16384xi32, #tpu.memory_space<vmem>> -> memref<4096xi32, #tpu.memory_space<vmem>>
    %dma_wait3A_120 = arith.constant 0 : i32
    %dma_wait3A_121 = tpu.memref_slice %arg2[%add3A_41, %dma_wait3A_120] : memref<128x4096xi32, #tpu.memory_space<hbm>> -> memref<1x4096xi32, #tpu.memory_space<hbm>>
    %dma_wait3A_122 = tpu.memref_squeeze %dma_wait3A_121 : memref<1x4096xi32, #tpu.memory_space<hbm>> -> memref<4096xi32, #tpu.memory_space<hbm>>
    tpu.wait_dma2 semaphore(%arg9 : memref<!tpu.dma_semaphore, #tpu.memory_space<semaphore_mem>>) src(%dma_wait3A_122 : memref<4096xi32, #tpu.memory_space<hbm>>) dst(%dma_wait3A_119 : memref<4096xi32, #tpu.memory_space<vmem>>)
    %dma_wait3A_123 = arith.constant 0 : i32
    %dma_wait3A_124 = tpu.memref_slice %arg7[%dma_wait3A_123] : memref<32768xf32, #tpu.memory_space<vmem>> -> memref<4096xf32, #tpu.memory_space<vmem>>
    %dma_wait3A_125 = arith.constant 0 : i32
    %dma_wait3A_126 = tpu.memref_slice %arg7[%dma_wait3A_125] : memref<32768xf32, #tpu.memory_space<vmem>> -> memref<4096xf32, #tpu.memory_space<vmem>>
    tpu.wait_dma2 semaphore(%arg9 : memref<!tpu.dma_semaphore, #tpu.memory_space<semaphore_mem>>) src(%arg4 : memref<4096xf32, #tpu.memory_space<hbm>>) dst(%dma_wait3A_126 : memref<4096xf32, #tpu.memory_space<vmem>>)
    %dma_wait3A_127 = arith.constant 4096 : i32
    %dma_wait3A_128 = tpu.memref_slice %arg7[%dma_wait3A_127] : memref<32768xf32, #tpu.memory_space<vmem>> -> memref<4096xf32, #tpu.memory_space<vmem>>
    %dma_wait3A_129 = arith.constant 4096 : i32
    %dma_wait3A_130 = tpu.memref_slice %arg7[%dma_wait3A_129] : memref<32768xf32, #tpu.memory_space<vmem>> -> memref<4096xf32, #tpu.memory_space<vmem>>
    tpu.wait_dma2 semaphore(%arg9 : memref<!tpu.dma_semaphore, #tpu.memory_space<semaphore_mem>>) src(%arg4 : memref<4096xf32, #tpu.memory_space<hbm>>) dst(%dma_wait3A_130 : memref<4096xf32, #tpu.memory_space<vmem>>)
    %dma_wait3A_131 = arith.constant 8192 : i32
    %dma_wait3A_132 = tpu.memref_slice %arg7[%dma_wait3A_131] : memref<32768xf32, #tpu.memory_space<vmem>> -> memref<4096xf32, #tpu.memory_space<vmem>>
    %dma_wait3A_133 = arith.constant 8192 : i32
    %dma_wait3A_134 = tpu.memref_slice %arg7[%dma_wait3A_133] : memref<32768xf32, #tpu.memory_space<vmem>> -> memref<4096xf32, #tpu.memory_space<vmem>>
    tpu.wait_dma2 semaphore(%arg9 : memref<!tpu.dma_semaphore, #tpu.memory_space<semaphore_mem>>) src(%arg4 : memref<4096xf32, #tpu.memory_space<hbm>>) dst(%dma_wait3A_134 : memref<4096xf32, #tpu.memory_space<vmem>>)
    %dma_wait3A_135 = arith.constant 12288 : i32
    %dma_wait3A_136 = tpu.memref_slice %arg7[%dma_wait3A_135] : memref<32768xf32, #tpu.memory_space<vmem>> -> memref<4096xf32, #tpu.memory_space<vmem>>
    %dma_wait3A_137 = arith.constant 12288 : i32
    %dma_wait3A_138 = tpu.memref_slice %arg7[%dma_wait3A_137] : memref<32768xf32, #tpu.memory_space<vmem>> -> memref<4096xf32, #tpu.memory_space<vmem>>
    tpu.wait_dma2 semaphore(%arg9 : memref<!tpu.dma_semaphore, #tpu.memory_space<semaphore_mem>>) src(%arg4 : memref<4096xf32, #tpu.memory_space<hbm>>) dst(%dma_wait3A_138 : memref<4096xf32, #tpu.memory_space<vmem>>)
    %dma_wait3A_139 = arith.constant 16384 : i32
    %dma_wait3A_140 = tpu.memref_slice %arg7[%dma_wait3A_139] : memref<32768xf32, #tpu.memory_space<vmem>> -> memref<4096xf32, #tpu.memory_space<vmem>>
    %dma_wait3A_141 = arith.constant 16384 : i32
    %dma_wait3A_142 = tpu.memref_slice %arg7[%dma_wait3A_141] : memref<32768xf32, #tpu.memory_space<vmem>> -> memref<4096xf32, #tpu.memory_space<vmem>>
    tpu.wait_dma2 semaphore(%arg9 : memref<!tpu.dma_semaphore, #tpu.memory_space<semaphore_mem>>) src(%arg4 : memref<4096xf32, #tpu.memory_space<hbm>>) dst(%dma_wait3A_142 : memref<4096xf32, #tpu.memory_space<vmem>>)
    %dma_wait3A_143 = arith.constant 20480 : i32
    %dma_wait3A_144 = tpu.memref_slice %arg7[%dma_wait3A_143] : memref<32768xf32, #tpu.memory_space<vmem>> -> memref<4096xf32, #tpu.memory_space<vmem>>
    %dma_wait3A_145 = arith.constant 20480 : i32
    %dma_wait3A_146 = tpu.memref_slice %arg7[%dma_wait3A_145] : memref<32768xf32, #tpu.memory_space<vmem>> -> memref<4096xf32, #tpu.memory_space<vmem>>
    tpu.wait_dma2 semaphore(%arg9 : memref<!tpu.dma_semaphore, #tpu.memory_space<semaphore_mem>>) src(%arg4 : memref<4096xf32, #tpu.memory_space<hbm>>) dst(%dma_wait3A_146 : memref<4096xf32, #tpu.memory_space<vmem>>)
    %dma_wait3A_147 = arith.constant 24576 : i32
    %dma_wait3A_148 = tpu.memref_slice %arg7[%dma_wait3A_147] : memref<32768xf32, #tpu.memory_space<vmem>> -> memref<4096xf32, #tpu.memory_space<vmem>>
    %dma_wait3A_149 = arith.constant 24576 : i32
    %dma_wait3A_150 = tpu.memref_slice %arg7[%dma_wait3A_149] : memref<32768xf32, #tpu.memory_space<vmem>> -> memref<4096xf32, #tpu.memory_space<vmem>>
    tpu.wait_dma2 semaphore(%arg9 : memref<!tpu.dma_semaphore, #tpu.memory_space<semaphore_mem>>) src(%arg4 : memref<4096xf32, #tpu.memory_space<hbm>>) dst(%dma_wait3A_150 : memref<4096xf32, #tpu.memory_space<vmem>>)
    %dma_wait3A_151 = arith.constant 28672 : i32
    %dma_wait3A_152 = tpu.memref_slice %arg7[%dma_wait3A_151] : memref<32768xf32, #tpu.memory_space<vmem>> -> memref<4096xf32, #tpu.memory_space<vmem>>
    %dma_wait3A_153 = arith.constant 28672 : i32
    %dma_wait3A_154 = tpu.memref_slice %arg7[%dma_wait3A_153] : memref<32768xf32, #tpu.memory_space<vmem>> -> memref<4096xf32, #tpu.memory_space<vmem>>
    tpu.wait_dma2 semaphore(%arg9 : memref<!tpu.dma_semaphore, #tpu.memory_space<semaphore_mem>>) src(%arg4 : memref<4096xf32, #tpu.memory_space<hbm>>) dst(%dma_wait3A_154 : memref<4096xf32, #tpu.memory_space<vmem>>)
    %dma_start3A_155 = arith.constant 0 : i32
    %dma_start3A_156 = tpu.memref_slice %arg8[%dma_start3A_155] : memref<8208xi32, #tpu.memory_space<vmem>> -> memref<4096xi32, #tpu.memory_space<vmem>>
    %dma_start3A_157 = arith.constant 0 : i32
    %dma_start3A_158 = tpu.memref_slice %arg3[%dma_start3A_157] : memref<335872xi32, #tpu.memory_space<hbm>> -> memref<4096xi32, #tpu.memory_space<hbm>>
    %dma_start3A_159 = arith.constant 0 : i32
    %dma_start3A_160 = tpu.memref_slice %arg8[%dma_start3A_159] : memref<8208xi32, #tpu.memory_space<vmem>> -> memref<4096xi32, #tpu.memory_space<vmem>>
    %dma_start3A_161 = arith.constant 0 : i32
    %dma_start3A_162 = tpu.memref_slice %arg3[%dma_start3A_161] : memref<335872xi32, #tpu.memory_space<hbm>> -> memref<4096xi32, #tpu.memory_space<hbm>>
    tpu.enqueue_dma source(%dma_start3A_162 : memref<4096xi32, #tpu.memory_space<hbm>>) target(%dma_start3A_160 : memref<4096xi32, #tpu.memory_space<vmem>>) target_semaphore(%arg9 : memref<!tpu.dma_semaphore, #tpu.memory_space<semaphore_mem>>)
    %dma_start3A_163 = arith.constant 4096 : i32
    %dma_start3A_164 = tpu.memref_slice %arg8[%dma_start3A_163] : memref<8208xi32, #tpu.memory_space<vmem>> -> memref<4096xi32, #tpu.memory_space<vmem>>
    %dma_start3A_165 = arith.constant 4096 : i32
    %dma_start3A_166 = tpu.memref_slice %arg3[%dma_start3A_165] : memref<335872xi32, #tpu.memory_space<hbm>> -> memref<4096xi32, #tpu.memory_space<hbm>>
    %dma_start3A_167 = arith.constant 4096 : i32
    %dma_start3A_168 = tpu.memref_slice %arg8[%dma_start3A_167] : memref<8208xi32, #tpu.memory_space<vmem>> -> memref<4096xi32, #tpu.memory_space<vmem>>
    %dma_start3A_169 = arith.constant 4096 : i32
    %dma_start3A_170 = tpu.memref_slice %arg3[%dma_start3A_169] : memref<335872xi32, #tpu.memory_space<hbm>> -> memref<4096xi32, #tpu.memory_space<hbm>>
    tpu.enqueue_dma source(%dma_start3A_170 : memref<4096xi32, #tpu.memory_space<hbm>>) target(%dma_start3A_168 : memref<4096xi32, #tpu.memory_space<vmem>>) target_semaphore(%arg9 : memref<!tpu.dma_semaphore, #tpu.memory_space<semaphore_mem>>)
    %scan3A = arith.constant 0 : i32
    %scan3A_171 = arith.constant 0 : i32
    %scan3A_172 = arith.constant 40 : i32
    %scan3A_173 = arith.addi %scan3A_171, %scan3A_172 : i32
    %scan3A_174 = arith.constant 1 : i32
    scf.for %scan3A_373 = %scan3A_171 to %scan3A_173 step %scan3A_174  : i32 {
      %dma_wait3A_374 = arith.constant 0 : i32
      %dma_wait3A_375 = tpu.memref_slice %arg8[%dma_wait3A_374] : memref<8208xi32, #tpu.memory_space<vmem>> -> memref<4096xi32, #tpu.memory_space<vmem>>
      %dma_wait3A_376 = arith.constant 0 : i32
      %dma_wait3A_377 = tpu.memref_slice %arg3[%dma_wait3A_376] : memref<335872xi32, #tpu.memory_space<hbm>> -> memref<4096xi32, #tpu.memory_space<hbm>>
      %dma_wait3A_378 = arith.constant 0 : i32
      %dma_wait3A_379 = tpu.memref_slice %arg8[%dma_wait3A_378] : memref<8208xi32, #tpu.memory_space<vmem>> -> memref<4096xi32, #tpu.memory_space<vmem>>
      %dma_wait3A_380 = arith.constant 0 : i32
      %dma_wait3A_381 = tpu.memref_slice %arg3[%dma_wait3A_380] : memref<335872xi32, #tpu.memory_space<hbm>> -> memref<4096xi32, #tpu.memory_space<hbm>>
      tpu.wait_dma2 semaphore(%arg9 : memref<!tpu.dma_semaphore, #tpu.memory_space<semaphore_mem>>) src(%dma_wait3A_381 : memref<4096xi32, #tpu.memory_space<hbm>>) dst(%dma_wait3A_379 : memref<4096xi32, #tpu.memory_space<vmem>>)
      %parallel_loop3A_382 = arith.constant 0 : i32
      %parallel_loop3A_383 = arith.constant 128 : i32
      %parallel_loop3A_384 = arith.constant 1 : i32
      scf.for %parallel_loop3A_424 = %parallel_loop3A_382 to %parallel_loop3A_383 step %parallel_loop3A_384  : i32 {
        %parallel_loop3A_425 = arith.constant 16 : i32
        %parallel_loop3A_426 = arith.muli %parallel_loop3A_424, %parallel_loop3A_425 : i32
        %parallel_loop3A_427 = arith.constant 0 : i32
        %parallel_loop3A_428 = arith.addi %parallel_loop3A_427, %parallel_loop3A_426 : i32
        %parallel_loop3A_429 = arith.index_cast %parallel_loop3A_428 : i32 to index
        %parallel_loop3A_430 = tpu.vector_load %arg8[%parallel_loop3A_429] {strides = array<i32>} : memref<8208xi32, #tpu.memory_space<vmem>>, vector<16xi32>,
        %parallel_loop3A_431 = arith.constant 16 : i32
        %parallel_loop3A_432 = arith.muli %parallel_loop3A_424, %parallel_loop3A_431 : i32
        %parallel_loop3A_433 = arith.constant 2048 : i32
        %parallel_loop3A_434 = arith.addi %parallel_loop3A_433, %parallel_loop3A_432 : i32
        %parallel_loop3A_435 = arith.index_cast %parallel_loop3A_434 : i32 to index
        %parallel_loop3A_436 = tpu.vector_load %arg8[%parallel_loop3A_435] {strides = array<i32>} : memref<8208xi32, #tpu.memory_space<vmem>>, vector<16xi32>,
        %parallel_loop3A_437 = arith.constant 4095 : i32
        %parallel_loop3A_438 = vector.broadcast %parallel_loop3A_437 : i32 to vector<16xi32>
        %parallel_loop3A_439 = arith.andi %parallel_loop3A_430, %parallel_loop3A_438 : vector<16xi32>
        %parallel_loop3A_440 = arith.constant 16 : i32
        %parallel_loop3A_441 = vector.broadcast %parallel_loop3A_440 : i32 to vector<16xi32>
        %parallel_loop3A_442 = arith.shrui %parallel_loop3A_430, %parallel_loop3A_441 : vector<16xi32>
        %parallel_loop3A_443 = vector.bitcast %parallel_loop3A_436 : vector<16xi32> to vector<16xf32>
        %parallel_loop3A_444 = arith.constant 0 : i32
        %parallel_loop3A_445 = tpu.memref_slice %arg6[%parallel_loop3A_444] : memref<16384xi32, #tpu.memory_space<vmem>> -> memref<4096xi32, #tpu.memory_space<vmem>>
        %parallel_loop3A_446 = tpu.vector_load_idx %parallel_loop3A_445[%parallel_loop3A_439] : memref<4096xi32, #tpu.memory_space<vmem>>[vector<16xi32>], vector<16xi32>,
        %parallel_loop3A_447 = arith.constant 4096 : i32
        %parallel_loop3A_448 = tpu.memref_slice %arg6[%parallel_loop3A_447] : memref<16384xi32, #tpu.memory_space<vmem>> -> memref<4096xi32, #tpu.memory_space<vmem>>
        %parallel_loop3A_449 = tpu.vector_load_idx %parallel_loop3A_448[%parallel_loop3A_439] : memref<4096xi32, #tpu.memory_space<vmem>>[vector<16xi32>], vector<16xi32>,
        %parallel_loop3A_450 = arith.constant 8192 : i32
        %parallel_loop3A_451 = tpu.memref_slice %arg6[%parallel_loop3A_450] : memref<16384xi32, #tpu.memory_space<vmem>> -> memref<4096xi32, #tpu.memory_space<vmem>>
        %parallel_loop3A_452 = tpu.vector_load_idx %parallel_loop3A_451[%parallel_loop3A_439] : memref<4096xi32, #tpu.memory_space<vmem>>[vector<16xi32>], vector<16xi32>,
        %parallel_loop3A_453 = arith.constant 12288 : i32
        %parallel_loop3A_454 = tpu.memref_slice %arg6[%parallel_loop3A_453] : memref<16384xi32, #tpu.memory_space<vmem>> -> memref<4096xi32, #tpu.memory_space<vmem>>
        %parallel_loop3A_455 = tpu.vector_load_idx %parallel_loop3A_454[%parallel_loop3A_439] : memref<4096xi32, #tpu.memory_space<vmem>>[vector<16xi32>], vector<16xi32>,
        %parallel_loop3A_456 = vector.bitcast %parallel_loop3A_446 : vector<16xi32> to vector<32xbf16>
        %parallel_loop3A_457 = tpu.unpack_subelements %parallel_loop3A_456, 0 {pack_format = #tpu.pack_format<interleaved>} : vector<32xbf16> -> vector<16xf32>
        %parallel_loop3A_458 = tpu.unpack_subelements %parallel_loop3A_456, 1 {pack_format = #tpu.pack_format<interleaved>} : vector<32xbf16> -> vector<16xf32>
        %parallel_loop3A_459 = arith.mulf %parallel_loop3A_457, %parallel_loop3A_443 : vector<16xf32>
        %parallel_loop3A_460 = arith.constant 0 : i32
        %parallel_loop3A_461 = tpu.memref_slice %arg7[%parallel_loop3A_460] : memref<32768xf32, #tpu.memory_space<vmem>> -> memref<4096xf32, #tpu.memory_space<vmem>>
        tpu.vector_store_idx %parallel_loop3A_461[%parallel_loop3A_442], %parallel_loop3A_459 {add = true} : memref<4096xf32, #tpu.memory_space<vmem>>[vector<16xi32>], vector<16xf32>,
        %parallel_loop3A_462 = arith.mulf %parallel_loop3A_458, %parallel_loop3A_443 : vector<16xf32>
        %parallel_loop3A_463 = arith.constant 4096 : i32
        %parallel_loop3A_464 = tpu.memref_slice %arg7[%parallel_loop3A_463] : memref<32768xf32, #tpu.memory_space<vmem>> -> memref<4096xf32, #tpu.memory_space<vmem>>
        tpu.vector_store_idx %parallel_loop3A_464[%parallel_loop3A_442], %parallel_loop3A_462 {add = true} : memref<4096xf32, #tpu.memory_space<vmem>>[vector<16xi32>], vector<16xf32>,
        %parallel_loop3A_465 = vector.bitcast %parallel_loop3A_449 : vector<16xi32> to vector<32xbf16>
        %parallel_loop3A_466 = tpu.unpack_subelements %parallel_loop3A_465, 0 {pack_format = #tpu.pack_format<interleaved>} : vector<32xbf16> -> vector<16xf32>
        %parallel_loop3A_467 = tpu.unpack_subelements %parallel_loop3A_465, 1 {pack_format = #tpu.pack_format<interleaved>} : vector<32xbf16> -> vector<16xf32>
        %parallel_loop3A_468 = arith.mulf %parallel_loop3A_466, %parallel_loop3A_443 : vector<16xf32>
        %parallel_loop3A_469 = arith.constant 8192 : i32
        %parallel_loop3A_470 = tpu.memref_slice %arg7[%parallel_loop3A_469] : memref<32768xf32, #tpu.memory_space<vmem>> -> memref<4096xf32, #tpu.memory_space<vmem>>
        tpu.vector_store_idx %parallel_loop3A_470[%parallel_loop3A_442], %parallel_loop3A_468 {add = true} : memref<4096xf32, #tpu.memory_space<vmem>>[vector<16xi32>], vector<16xf32>,
        %parallel_loop3A_471 = arith.mulf %parallel_loop3A_467, %parallel_loop3A_443 : vector<16xf32>
        %parallel_loop3A_472 = arith.constant 12288 : i32
        %parallel_loop3A_473 = tpu.memref_slice %arg7[%parallel_loop3A_472] : memref<32768xf32, #tpu.memory_space<vmem>> -> memref<4096xf32, #tpu.memory_space<vmem>>
        tpu.vector_store_idx %parallel_loop3A_473[%parallel_loop3A_442], %parallel_loop3A_471 {add = true} : memref<4096xf32, #tpu.memory_space<vmem>>[vector<16xi32>], vector<16xf32>,
        %parallel_loop3A_474 = vector.bitcast %parallel_loop3A_452 : vector<16xi32> to vector<32xbf16>
        %parallel_loop3A_475 = tpu.unpack_subelements %parallel_loop3A_474, 0 {pack_format = #tpu.pack_format<interleaved>} : vector<32xbf16> -> vector<16xf32>
        %parallel_loop3A_476 = tpu.unpack_subelements %parallel_loop3A_474, 1 {pack_format = #tpu.pack_format<interleaved>} : vector<32xbf16> -> vector<16xf32>
        %parallel_loop3A_477 = arith.mulf %parallel_loop3A_475, %parallel_loop3A_443 : vector<16xf32>
        %parallel_loop3A_478 = arith.constant 16384 : i32
        %parallel_loop3A_479 = tpu.memref_slice %arg7[%parallel_loop3A_478] : memref<32768xf32, #tpu.memory_space<vmem>> -> memref<4096xf32, #tpu.memory_space<vmem>>
        tpu.vector_store_idx %parallel_loop3A_479[%parallel_loop3A_442], %parallel_loop3A_477 {add = true} : memref<4096xf32, #tpu.memory_space<vmem>>[vector<16xi32>], vector<16xf32>,
        %parallel_loop3A_480 = arith.mulf %parallel_loop3A_476, %parallel_loop3A_443 : vector<16xf32>
        %parallel_loop3A_481 = arith.constant 20480 : i32
        %parallel_loop3A_482 = tpu.memref_slice %arg7[%parallel_loop3A_481] : memref<32768xf32, #tpu.memory_space<vmem>> -> memref<4096xf32, #tpu.memory_space<vmem>>
        tpu.vector_store_idx %parallel_loop3A_482[%parallel_loop3A_442], %parallel_loop3A_480 {add = true} : memref<4096xf32, #tpu.memory_space<vmem>>[vector<16xi32>], vector<16xf32>,
        %parallel_loop3A_483 = vector.bitcast %parallel_loop3A_455 : vector<16xi32> to vector<32xbf16>
        %parallel_loop3A_484 = tpu.unpack_subelements %parallel_loop3A_483, 0 {pack_format = #tpu.pack_format<interleaved>} : vector<32xbf16> -> vector<16xf32>
        %parallel_loop3A_485 = tpu.unpack_subelements %parallel_loop3A_483, 1 {pack_format = #tpu.pack_format<interleaved>} : vector<32xbf16> -> vector<16xf32>
        %parallel_loop3A_486 = arith.mulf %parallel_loop3A_484, %parallel_loop3A_443 : vector<16xf32>
        %parallel_loop3A_487 = arith.constant 24576 : i32
        %parallel_loop3A_488 = tpu.memref_slice %arg7[%parallel_loop3A_487] : memref<32768xf32, #tpu.memory_space<vmem>> -> memref<4096xf32, #tpu.memory_space<vmem>>
        tpu.vector_store_idx %parallel_loop3A_488[%parallel_loop3A_442], %parallel_loop3A_486 {add = true} : memref<4096xf32, #tpu.memory_space<vmem>>[vector<16xi32>], vector<16xf32>,
        %parallel_loop3A_489 = arith.mulf %parallel_loop3A_485, %parallel_loop3A_443 : vector<16xf32>
        %parallel_loop3A_490 = arith.constant 28672 : i32
        %parallel_loop3A_491 = tpu.memref_slice %arg7[%parallel_loop3A_490] : memref<32768xf32, #tpu.memory_space<vmem>> -> memref<4096xf32, #tpu.memory_space<vmem>>
        tpu.vector_store_idx %parallel_loop3A_491[%parallel_loop3A_442], %parallel_loop3A_489 {add = true} : memref<4096xf32, #tpu.memory_space<vmem>>[vector<16xi32>], vector<16xf32>,
      } {sc.loop_unroll_factor = 2 : i64, sc.parallel_access}
      %mul3A_385 = arith.constant 2 : i32
      %mul3A_386 = arith.muli %mul3A_385, %scan3A_373 : i32
      %add3A_387 = arith.constant 2 : i32
      %add3A_388 = arith.addi %mul3A_386, %add3A_387 : i32
      %add3A_389 = arith.constant 0 : i32
      %add3A_390 = arith.addi %add3A_388, %add3A_389 : i32
      %mul3A_391 = arith.constant 4096 : i32
      %mul3A_392 = arith.muli %add3A_390, %mul3A_391 : i32
      %dma_start3A_393 = arith.constant 0 : i32
      %dma_start3A_394 = tpu.memref_slice %arg8[%dma_start3A_393] : memref<8208xi32, #tpu.memory_space<vmem>> -> memref<4096xi32, #tpu.memory_space<vmem>>
      %dma_start3A_395 = tpu.memref_slice %arg3[%mul3A_392] : memref<335872xi32, #tpu.memory_space<hbm>> -> memref<4096xi32, #tpu.memory_space<hbm>>
      %dma_start3A_396 = arith.constant 0 : i32
      %dma_start3A_397 = tpu.memref_slice %arg8[%dma_start3A_396] : memref<8208xi32, #tpu.memory_space<vmem>> -> memref<4096xi32, #tpu.memory_space<vmem>>
      %dma_start3A_398 = tpu.memref_slice %arg3[%mul3A_392] : memref<335872xi32, #tpu.memory_space<hbm>> -> memref<4096xi32, #tpu.memory_space<hbm>>
      tpu.enqueue_dma source(%dma_start3A_398 : memref<4096xi32, #tpu.memory_space<hbm>>) target(%dma_start3A_397 : memref<4096xi32, #tpu.memory_space<vmem>>) target_semaphore(%arg9 : memref<!tpu.dma_semaphore, #tpu.memory_space<semaphore_mem>>)
      %dma_wait3A_399 = arith.constant 4096 : i32
      %dma_wait3A_400 = tpu.memref_slice %arg8[%dma_wait3A_399] : memref<8208xi32, #tpu.memory_space<vmem>> -> memref<4096xi32, #tpu.memory_space<vmem>>
      %dma_wait3A_401 = arith.constant 0 : i32
      %dma_wait3A_402 = tpu.memref_slice %arg3[%dma_wait3A_401] : memref<335872xi32, #tpu.memory_space<hbm>> -> memref<4096xi32, #tpu.memory_space<hbm>>
      %dma_wait3A_403 = arith.constant 4096 : i32
      %dma_wait3A_404 = tpu.memref_slice %arg8[%dma_wait3A_403] : memref<8208xi32, #tpu.memory_space<vmem>> -> memref<4096xi32, #tpu.memory_space<vmem>>
      %dma_wait3A_405 = arith.constant 0 : i32
      %dma_wait3A_406 = tpu.memref_slice %arg3[%dma_wait3A_405] : memref<335872xi32, #tpu.memory_space<hbm>> -> memref<4096xi32, #tpu.memory_space<hbm>>
      tpu.wait_dma2 semaphore(%arg9 : memref<!tpu.dma_semaphore, #tpu.memory_space<semaphore_mem>>) src(%dma_wait3A_406 : memref<4096xi32, #tpu.memory_space<hbm>>) dst(%dma_wait3A_404 : memref<4096xi32, #tpu.memory_space<vmem>>)
      %parallel_loop3A_407 = arith.constant 0 : i32
      %parallel_loop3A_408 = arith.constant 128 : i32
      %parallel_loop3A_409 = arith.constant 1 : i32
      scf.for %parallel_loop3A_424 = %parallel_loop3A_407 to %parallel_loop3A_408 step %parallel_loop3A_409  : i32 {
        %parallel_loop3A_425 = arith.constant 16 : i32
        %parallel_loop3A_426 = arith.muli %parallel_loop3A_424, %parallel_loop3A_425 : i32
        %parallel_loop3A_427 = arith.constant 4096 : i32
        %parallel_loop3A_428 = arith.addi %parallel_loop3A_427, %parallel_loop3A_426 : i32
        %parallel_loop3A_429 = arith.index_cast %parallel_loop3A_428 : i32 to index
        %parallel_loop3A_430 = tpu.vector_load %arg8[%parallel_loop3A_429] {strides = array<i32>} : memref<8208xi32, #tpu.memory_space<vmem>>, vector<16xi32>,
        %parallel_loop3A_431 = arith.constant 16 : i32
        %parallel_loop3A_432 = arith.muli %parallel_loop3A_424, %parallel_loop3A_431 : i32
        %parallel_loop3A_433 = arith.constant 6144 : i32
        %parallel_loop3A_434 = arith.addi %parallel_loop3A_433, %parallel_loop3A_432 : i32
        %parallel_loop3A_435 = arith.index_cast %parallel_loop3A_434 : i32 to index
        %parallel_loop3A_436 = tpu.vector_load %arg8[%parallel_loop3A_435] {strides = array<i32>} : memref<8208xi32, #tpu.memory_space<vmem>>, vector<16xi32>,
        %parallel_loop3A_437 = arith.constant 4095 : i32
        %parallel_loop3A_438 = vector.broadcast %parallel_loop3A_437 : i32 to vector<16xi32>
        %parallel_loop3A_439 = arith.andi %parallel_loop3A_430, %parallel_loop3A_438 : vector<16xi32>
        %parallel_loop3A_440 = arith.constant 16 : i32
        %parallel_loop3A_441 = vector.broadcast %parallel_loop3A_440 : i32 to vector<16xi32>
        %parallel_loop3A_442 = arith.shrui %parallel_loop3A_430, %parallel_loop3A_441 : vector<16xi32>
        %parallel_loop3A_443 = vector.bitcast %parallel_loop3A_436 : vector<16xi32> to vector<16xf32>
        %parallel_loop3A_444 = arith.constant 0 : i32
        %parallel_loop3A_445 = tpu.memref_slice %arg6[%parallel_loop3A_444] : memref<16384xi32, #tpu.memory_space<vmem>> -> memref<4096xi32, #tpu.memory_space<vmem>>
        %parallel_loop3A_446 = tpu.vector_load_idx %parallel_loop3A_445[%parallel_loop3A_439] : memref<4096xi32, #tpu.memory_space<vmem>>[vector<16xi32>], vector<16xi32>,
        %parallel_loop3A_447 = arith.constant 4096 : i32
        %parallel_loop3A_448 = tpu.memref_slice %arg6[%parallel_loop3A_447] : memref<16384xi32, #tpu.memory_space<vmem>> -> memref<4096xi32, #tpu.memory_space<vmem>>
        %parallel_loop3A_449 = tpu.vector_load_idx %parallel_loop3A_448[%parallel_loop3A_439] : memref<4096xi32, #tpu.memory_space<vmem>>[vector<16xi32>], vector<16xi32>,
        %parallel_loop3A_450 = arith.constant 8192 : i32
        %parallel_loop3A_451 = tpu.memref_slice %arg6[%parallel_loop3A_450] : memref<16384xi32, #tpu.memory_space<vmem>> -> memref<4096xi32, #tpu.memory_space<vmem>>
        %parallel_loop3A_452 = tpu.vector_load_idx %parallel_loop3A_451[%parallel_loop3A_439] : memref<4096xi32, #tpu.memory_space<vmem>>[vector<16xi32>], vector<16xi32>,
        %parallel_loop3A_453 = arith.constant 12288 : i32
        %parallel_loop3A_454 = tpu.memref_slice %arg6[%parallel_loop3A_453] : memref<16384xi32, #tpu.memory_space<vmem>> -> memref<4096xi32, #tpu.memory_space<vmem>>
        %parallel_loop3A_455 = tpu.vector_load_idx %parallel_loop3A_454[%parallel_loop3A_439] : memref<4096xi32, #tpu.memory_space<vmem>>[vector<16xi32>], vector<16xi32>,
        %parallel_loop3A_456 = vector.bitcast %parallel_loop3A_446 : vector<16xi32> to vector<32xbf16>
        %parallel_loop3A_457 = tpu.unpack_subelements %parallel_loop3A_456, 0 {pack_format = #tpu.pack_format<interleaved>} : vector<32xbf16> -> vector<16xf32>
        %parallel_loop3A_458 = tpu.unpack_subelements %parallel_loop3A_456, 1 {pack_format = #tpu.pack_format<interleaved>} : vector<32xbf16> -> vector<16xf32>
        %parallel_loop3A_459 = arith.mulf %parallel_loop3A_457, %parallel_loop3A_443 : vector<16xf32>
        %parallel_loop3A_460 = arith.constant 0 : i32
        %parallel_loop3A_461 = tpu.memref_slice %arg7[%parallel_loop3A_460] : memref<32768xf32, #tpu.memory_space<vmem>> -> memref<4096xf32, #tpu.memory_space<vmem>>
        tpu.vector_store_idx %parallel_loop3A_461[%parallel_loop3A_442], %parallel_loop3A_459 {add = true} : memref<4096xf32, #tpu.memory_space<vmem>>[vector<16xi32>], vector<16xf32>,
        %parallel_loop3A_462 = arith.mulf %parallel_loop3A_458, %parallel_loop3A_443 : vector<16xf32>
        %parallel_loop3A_463 = arith.constant 4096 : i32
        %parallel_loop3A_464 = tpu.memref_slice %arg7[%parallel_loop3A_463] : memref<32768xf32, #tpu.memory_space<vmem>> -> memref<4096xf32, #tpu.memory_space<vmem>>
        tpu.vector_store_idx %parallel_loop3A_464[%parallel_loop3A_442], %parallel_loop3A_462 {add = true} : memref<4096xf32, #tpu.memory_space<vmem>>[vector<16xi32>], vector<16xf32>,
        %parallel_loop3A_465 = vector.bitcast %parallel_loop3A_449 : vector<16xi32> to vector<32xbf16>
        %parallel_loop3A_466 = tpu.unpack_subelements %parallel_loop3A_465, 0 {pack_format = #tpu.pack_format<interleaved>} : vector<32xbf16> -> vector<16xf32>
        %parallel_loop3A_467 = tpu.unpack_subelements %parallel_loop3A_465, 1 {pack_format = #tpu.pack_format<interleaved>} : vector<32xbf16> -> vector<16xf32>
        %parallel_loop3A_468 = arith.mulf %parallel_loop3A_466, %parallel_loop3A_443 : vector<16xf32>
        %parallel_loop3A_469 = arith.constant 8192 : i32
        %parallel_loop3A_470 = tpu.memref_slice %arg7[%parallel_loop3A_469] : memref<32768xf32, #tpu.memory_space<vmem>> -> memref<4096xf32, #tpu.memory_space<vmem>>
        tpu.vector_store_idx %parallel_loop3A_470[%parallel_loop3A_442], %parallel_loop3A_468 {add = true} : memref<4096xf32, #tpu.memory_space<vmem>>[vector<16xi32>], vector<16xf32>,
        %parallel_loop3A_471 = arith.mulf %parallel_loop3A_467, %parallel_loop3A_443 : vector<16xf32>
        %parallel_loop3A_472 = arith.constant 12288 : i32
        %parallel_loop3A_473 = tpu.memref_slice %arg7[%parallel_loop3A_472] : memref<32768xf32, #tpu.memory_space<vmem>> -> memref<4096xf32, #tpu.memory_space<vmem>>
        tpu.vector_store_idx %parallel_loop3A_473[%parallel_loop3A_442], %parallel_loop3A_471 {add = true} : memref<4096xf32, #tpu.memory_space<vmem>>[vector<16xi32>], vector<16xf32>,
        %parallel_loop3A_474 = vector.bitcast %parallel_loop3A_452 : vector<16xi32> to vector<32xbf16>
        %parallel_loop3A_475 = tpu.unpack_subelements %parallel_loop3A_474, 0 {pack_format = #tpu.pack_format<interleaved>} : vector<32xbf16> -> vector<16xf32>
        %parallel_loop3A_476 = tpu.unpack_subelements %parallel_loop3A_474, 1 {pack_format = #tpu.pack_format<interleaved>} : vector<32xbf16> -> vector<16xf32>
        %parallel_loop3A_477 = arith.mulf %parallel_loop3A_475, %parallel_loop3A_443 : vector<16xf32>
        %parallel_loop3A_478 = arith.constant 16384 : i32
        %parallel_loop3A_479 = tpu.memref_slice %arg7[%parallel_loop3A_478] : memref<32768xf32, #tpu.memory_space<vmem>> -> memref<4096xf32, #tpu.memory_space<vmem>>
        tpu.vector_store_idx %parallel_loop3A_479[%parallel_loop3A_442], %parallel_loop3A_477 {add = true} : memref<4096xf32, #tpu.memory_space<vmem>>[vector<16xi32>], vector<16xf32>,
        %parallel_loop3A_480 = arith.mulf %parallel_loop3A_476, %parallel_loop3A_443 : vector<16xf32>
        %parallel_loop3A_481 = arith.constant 20480 : i32
        %parallel_loop3A_482 = tpu.memref_slice %arg7[%parallel_loop3A_481] : memref<32768xf32, #tpu.memory_space<vmem>> -> memref<4096xf32, #tpu.memory_space<vmem>>
        tpu.vector_store_idx %parallel_loop3A_482[%parallel_loop3A_442], %parallel_loop3A_480 {add = true} : memref<4096xf32, #tpu.memory_space<vmem>>[vector<16xi32>], vector<16xf32>,
        %parallel_loop3A_483 = vector.bitcast %parallel_loop3A_455 : vector<16xi32> to vector<32xbf16>
        %parallel_loop3A_484 = tpu.unpack_subelements %parallel_loop3A_483, 0 {pack_format = #tpu.pack_format<interleaved>} : vector<32xbf16> -> vector<16xf32>
        %parallel_loop3A_485 = tpu.unpack_subelements %parallel_loop3A_483, 1 {pack_format = #tpu.pack_format<interleaved>} : vector<32xbf16> -> vector<16xf32>
        %parallel_loop3A_486 = arith.mulf %parallel_loop3A_484, %parallel_loop3A_443 : vector<16xf32>
        %parallel_loop3A_487 = arith.constant 24576 : i32
        %parallel_loop3A_488 = tpu.memref_slice %arg7[%parallel_loop3A_487] : memref<32768xf32, #tpu.memory_space<vmem>> -> memref<4096xf32, #tpu.memory_space<vmem>>
        tpu.vector_store_idx %parallel_loop3A_488[%parallel_loop3A_442], %parallel_loop3A_486 {add = true} : memref<4096xf32, #tpu.memory_space<vmem>>[vector<16xi32>], vector<16xf32>,
        %parallel_loop3A_489 = arith.mulf %parallel_loop3A_485, %parallel_loop3A_443 : vector<16xf32>
        %parallel_loop3A_490 = arith.constant 28672 : i32
        %parallel_loop3A_491 = tpu.memref_slice %arg7[%parallel_loop3A_490] : memref<32768xf32, #tpu.memory_space<vmem>> -> memref<4096xf32, #tpu.memory_space<vmem>>
        tpu.vector_store_idx %parallel_loop3A_491[%parallel_loop3A_442], %parallel_loop3A_489 {add = true} : memref<4096xf32, #tpu.memory_space<vmem>>[vector<16xi32>], vector<16xf32>,
      } {sc.loop_unroll_factor = 2 : i64, sc.parallel_access}
      %mul3A_410 = arith.constant 2 : i32
      %mul3A_411 = arith.muli %mul3A_410, %scan3A_373 : i32
      %add3A_412 = arith.constant 2 : i32
      %add3A_413 = arith.addi %mul3A_411, %add3A_412 : i32
      %add3A_414 = arith.constant 1 : i32
      %add3A_415 = arith.addi %add3A_413, %add3A_414 : i32
      %mul3A_416 = arith.constant 4096 : i32
      %mul3A_417 = arith.muli %add3A_415, %mul3A_416 : i32
      %dma_start3A_418 = arith.constant 4096 : i32
      %dma_start3A_419 = tpu.memref_slice %arg8[%dma_start3A_418] : memref<8208xi32, #tpu.memory_space<vmem>> -> memref<4096xi32, #tpu.memory_space<vmem>>
      %dma_start3A_420 = tpu.memref_slice %arg3[%mul3A_417] : memref<335872xi32, #tpu.memory_space<hbm>> -> memref<4096xi32, #tpu.memory_space<hbm>>
      %dma_start3A_421 = arith.constant 4096 : i32
      %dma_start3A_422 = tpu.memref_slice %arg8[%dma_start3A_421] : memref<8208xi32, #tpu.memory_space<vmem>> -> memref<4096xi32, #tpu.memory_space<vmem>>
      %dma_start3A_423 = tpu.memref_slice %arg3[%mul3A_417] : memref<335872xi32, #tpu.memory_space<hbm>> -> memref<4096xi32, #tpu.memory_space<hbm>>
      tpu.enqueue_dma source(%dma_start3A_423 : memref<4096xi32, #tpu.memory_space<hbm>>) target(%dma_start3A_422 : memref<4096xi32, #tpu.memory_space<vmem>>) target_semaphore(%arg9 : memref<!tpu.dma_semaphore, #tpu.memory_space<semaphore_mem>>)
    }
    %scan3A_175 = arith.constant 40 : i32
    %dma_wait3A_176 = arith.constant 0 : i32
    %dma_wait3A_177 = tpu.memref_slice %arg8[%dma_wait3A_176] : memref<8208xi32, #tpu.memory_space<vmem>> -> memref<4096xi32, #tpu.memory_space<vmem>>
    %dma_wait3A_178 = arith.constant 0 : i32
    %dma_wait3A_179 = tpu.memref_slice %arg3[%dma_wait3A_178] : memref<335872xi32, #tpu.memory_space<hbm>> -> memref<4096xi32, #tpu.memory_space<hbm>>
    %dma_wait3A_180 = arith.constant 0 : i32
    %dma_wait3A_181 = tpu.memref_slice %arg8[%dma_wait3A_180] : memref<8208xi32, #tpu.memory_space<vmem>> -> memref<4096xi32, #tpu.memory_space<vmem>>
    %dma_wait3A_182 = arith.constant 0 : i32
    %dma_wait3A_183 = tpu.memref_slice %arg3[%dma_wait3A_182] : memref<335872xi32, #tpu.memory_space<hbm>> -> memref<4096xi32, #tpu.memory_space<hbm>>
    tpu.wait_dma2 semaphore(%arg9 : memref<!tpu.dma_semaphore, #tpu.memory_space<semaphore_mem>>) src(%dma_wait3A_183 : memref<4096xi32, #tpu.memory_space<hbm>>) dst(%dma_wait3A_181 : memref<4096xi32, #tpu.memory_space<vmem>>)
    %parallel_loop3A = arith.constant 0 : i32
    %parallel_loop3A_184 = arith.constant 128 : i32
    %parallel_loop3A_185 = arith.constant 1 : i32
    scf.for %parallel_loop3A_373 = %parallel_loop3A to %parallel_loop3A_184 step %parallel_loop3A_185  : i32 {
      %parallel_loop3A_374 = arith.constant 16 : i32
      %parallel_loop3A_375 = arith.muli %parallel_loop3A_373, %parallel_loop3A_374 : i32
      %parallel_loop3A_376 = arith.constant 0 : i32
      %parallel_loop3A_377 = arith.addi %parallel_loop3A_376, %parallel_loop3A_375 : i32
      %parallel_loop3A_378 = arith.index_cast %parallel_loop3A_377 : i32 to index
      %parallel_loop3A_379 = tpu.vector_load %arg8[%parallel_loop3A_378] {strides = array<i32>} : memref<8208xi32, #tpu.memory_space<vmem>>, vector<16xi32>,
      %parallel_loop3A_380 = arith.constant 16 : i32
      %parallel_loop3A_381 = arith.muli %parallel_loop3A_373, %parallel_loop3A_380 : i32
      %parallel_loop3A_382 = arith.constant 2048 : i32
      %parallel_loop3A_383 = arith.addi %parallel_loop3A_382, %parallel_loop3A_381 : i32
      %parallel_loop3A_384 = arith.index_cast %parallel_loop3A_383 : i32 to index
      %parallel_loop3A_385 = tpu.vector_load %arg8[%parallel_loop3A_384] {strides = array<i32>} : memref<8208xi32, #tpu.memory_space<vmem>>, vector<16xi32>,
      %parallel_loop3A_386 = arith.constant 4095 : i32
      %parallel_loop3A_387 = vector.broadcast %parallel_loop3A_386 : i32 to vector<16xi32>
      %parallel_loop3A_388 = arith.andi %parallel_loop3A_379, %parallel_loop3A_387 : vector<16xi32>
      %parallel_loop3A_389 = arith.constant 16 : i32
      %parallel_loop3A_390 = vector.broadcast %parallel_loop3A_389 : i32 to vector<16xi32>
      %parallel_loop3A_391 = arith.shrui %parallel_loop3A_379, %parallel_loop3A_390 : vector<16xi32>
      %parallel_loop3A_392 = vector.bitcast %parallel_loop3A_385 : vector<16xi32> to vector<16xf32>
      %parallel_loop3A_393 = arith.constant 0 : i32
      %parallel_loop3A_394 = tpu.memref_slice %arg6[%parallel_loop3A_393] : memref<16384xi32, #tpu.memory_space<vmem>> -> memref<4096xi32, #tpu.memory_space<vmem>>
      %parallel_loop3A_395 = tpu.vector_load_idx %parallel_loop3A_394[%parallel_loop3A_388] : memref<4096xi32, #tpu.memory_space<vmem>>[vector<16xi32>], vector<16xi32>,
      %parallel_loop3A_396 = arith.constant 4096 : i32
      %parallel_loop3A_397 = tpu.memref_slice %arg6[%parallel_loop3A_396] : memref<16384xi32, #tpu.memory_space<vmem>> -> memref<4096xi32, #tpu.memory_space<vmem>>
      %parallel_loop3A_398 = tpu.vector_load_idx %parallel_loop3A_397[%parallel_loop3A_388] : memref<4096xi32, #tpu.memory_space<vmem>>[vector<16xi32>], vector<16xi32>,
      %parallel_loop3A_399 = arith.constant 8192 : i32
      %parallel_loop3A_400 = tpu.memref_slice %arg6[%parallel_loop3A_399] : memref<16384xi32, #tpu.memory_space<vmem>> -> memref<4096xi32, #tpu.memory_space<vmem>>
      %parallel_loop3A_401 = tpu.vector_load_idx %parallel_loop3A_400[%parallel_loop3A_388] : memref<4096xi32, #tpu.memory_space<vmem>>[vector<16xi32>], vector<16xi32>,
      %parallel_loop3A_402 = arith.constant 12288 : i32
      %parallel_loop3A_403 = tpu.memref_slice %arg6[%parallel_loop3A_402] : memref<16384xi32, #tpu.memory_space<vmem>> -> memref<4096xi32, #tpu.memory_space<vmem>>
      %parallel_loop3A_404 = tpu.vector_load_idx %parallel_loop3A_403[%parallel_loop3A_388] : memref<4096xi32, #tpu.memory_space<vmem>>[vector<16xi32>], vector<16xi32>,
      %parallel_loop3A_405 = vector.bitcast %parallel_loop3A_395 : vector<16xi32> to vector<32xbf16>
      %parallel_loop3A_406 = tpu.unpack_subelements %parallel_loop3A_405, 0 {pack_format = #tpu.pack_format<interleaved>} : vector<32xbf16> -> vector<16xf32>
      %parallel_loop3A_407 = tpu.unpack_subelements %parallel_loop3A_405, 1 {pack_format = #tpu.pack_format<interleaved>} : vector<32xbf16> -> vector<16xf32>
      %parallel_loop3A_408 = arith.mulf %parallel_loop3A_406, %parallel_loop3A_392 : vector<16xf32>
      %parallel_loop3A_409 = arith.constant 0 : i32
      %parallel_loop3A_410 = tpu.memref_slice %arg7[%parallel_loop3A_409] : memref<32768xf32, #tpu.memory_space<vmem>> -> memref<4096xf32, #tpu.memory_space<vmem>>
      tpu.vector_store_idx %parallel_loop3A_410[%parallel_loop3A_391], %parallel_loop3A_408 {add = true} : memref<4096xf32, #tpu.memory_space<vmem>>[vector<16xi32>], vector<16xf32>,
      %parallel_loop3A_411 = arith.mulf %parallel_loop3A_407, %parallel_loop3A_392 : vector<16xf32>
      %parallel_loop3A_412 = arith.constant 4096 : i32
      %parallel_loop3A_413 = tpu.memref_slice %arg7[%parallel_loop3A_412] : memref<32768xf32, #tpu.memory_space<vmem>> -> memref<4096xf32, #tpu.memory_space<vmem>>
      tpu.vector_store_idx %parallel_loop3A_413[%parallel_loop3A_391], %parallel_loop3A_411 {add = true} : memref<4096xf32, #tpu.memory_space<vmem>>[vector<16xi32>], vector<16xf32>,
      %parallel_loop3A_414 = vector.bitcast %parallel_loop3A_398 : vector<16xi32> to vector<32xbf16>
      %parallel_loop3A_415 = tpu.unpack_subelements %parallel_loop3A_414, 0 {pack_format = #tpu.pack_format<interleaved>} : vector<32xbf16> -> vector<16xf32>
      %parallel_loop3A_416 = tpu.unpack_subelements %parallel_loop3A_414, 1 {pack_format = #tpu.pack_format<interleaved>} : vector<32xbf16> -> vector<16xf32>
      %parallel_loop3A_417 = arith.mulf %parallel_loop3A_415, %parallel_loop3A_392 : vector<16xf32>
      %parallel_loop3A_418 = arith.constant 8192 : i32
      %parallel_loop3A_419 = tpu.memref_slice %arg7[%parallel_loop3A_418] : memref<32768xf32, #tpu.memory_space<vmem>> -> memref<4096xf32, #tpu.memory_space<vmem>>
      tpu.vector_store_idx %parallel_loop3A_419[%parallel_loop3A_391], %parallel_loop3A_417 {add = true} : memref<4096xf32, #tpu.memory_space<vmem>>[vector<16xi32>], vector<16xf32>,
      %parallel_loop3A_420 = arith.mulf %parallel_loop3A_416, %parallel_loop3A_392 : vector<16xf32>
      %parallel_loop3A_421 = arith.constant 12288 : i32
      %parallel_loop3A_422 = tpu.memref_slice %arg7[%parallel_loop3A_421] : memref<32768xf32, #tpu.memory_space<vmem>> -> memref<4096xf32, #tpu.memory_space<vmem>>
      tpu.vector_store_idx %parallel_loop3A_422[%parallel_loop3A_391], %parallel_loop3A_420 {add = true} : memref<4096xf32, #tpu.memory_space<vmem>>[vector<16xi32>], vector<16xf32>,
      %parallel_loop3A_423 = vector.bitcast %parallel_loop3A_401 : vector<16xi32> to vector<32xbf16>
      %parallel_loop3A_424 = tpu.unpack_subelements %parallel_loop3A_423, 0 {pack_format = #tpu.pack_format<interleaved>} : vector<32xbf16> -> vector<16xf32>
      %parallel_loop3A_425 = tpu.unpack_subelements %parallel_loop3A_423, 1 {pack_format = #tpu.pack_format<interleaved>} : vector<32xbf16> -> vector<16xf32>
      %parallel_loop3A_426 = arith.mulf %parallel_loop3A_424, %parallel_loop3A_392 : vector<16xf32>
      %parallel_loop3A_427 = arith.constant 16384 : i32
      %parallel_loop3A_428 = tpu.memref_slice %arg7[%parallel_loop3A_427] : memref<32768xf32, #tpu.memory_space<vmem>> -> memref<4096xf32, #tpu.memory_space<vmem>>
      tpu.vector_store_idx %parallel_loop3A_428[%parallel_loop3A_391], %parallel_loop3A_426 {add = true} : memref<4096xf32, #tpu.memory_space<vmem>>[vector<16xi32>], vector<16xf32>,
      %parallel_loop3A_429 = arith.mulf %parallel_loop3A_425, %parallel_loop3A_392 : vector<16xf32>
      %parallel_loop3A_430 = arith.constant 20480 : i32
      %parallel_loop3A_431 = tpu.memref_slice %arg7[%parallel_loop3A_430] : memref<32768xf32, #tpu.memory_space<vmem>> -> memref<4096xf32, #tpu.memory_space<vmem>>
      tpu.vector_store_idx %parallel_loop3A_431[%parallel_loop3A_391], %parallel_loop3A_429 {add = true} : memref<4096xf32, #tpu.memory_space<vmem>>[vector<16xi32>], vector<16xf32>,
      %parallel_loop3A_432 = vector.bitcast %parallel_loop3A_404 : vector<16xi32> to vector<32xbf16>
      %parallel_loop3A_433 = tpu.unpack_subelements %parallel_loop3A_432, 0 {pack_format = #tpu.pack_format<interleaved>} : vector<32xbf16> -> vector<16xf32>
      %parallel_loop3A_434 = tpu.unpack_subelements %parallel_loop3A_432, 1 {pack_format = #tpu.pack_format<interleaved>} : vector<32xbf16> -> vector<16xf32>
      %parallel_loop3A_435 = arith.mulf %parallel_loop3A_433, %parallel_loop3A_392 : vector<16xf32>
      %parallel_loop3A_436 = arith.constant 24576 : i32
      %parallel_loop3A_437 = tpu.memref_slice %arg7[%parallel_loop3A_436] : memref<32768xf32, #tpu.memory_space<vmem>> -> memref<4096xf32, #tpu.memory_space<vmem>>
      tpu.vector_store_idx %parallel_loop3A_437[%parallel_loop3A_391], %parallel_loop3A_435 {add = true} : memref<4096xf32, #tpu.memory_space<vmem>>[vector<16xi32>], vector<16xf32>,
      %parallel_loop3A_438 = arith.mulf %parallel_loop3A_434, %parallel_loop3A_392 : vector<16xf32>
      %parallel_loop3A_439 = arith.constant 28672 : i32
      %parallel_loop3A_440 = tpu.memref_slice %arg7[%parallel_loop3A_439] : memref<32768xf32, #tpu.memory_space<vmem>> -> memref<4096xf32, #tpu.memory_space<vmem>>
      tpu.vector_store_idx %parallel_loop3A_440[%parallel_loop3A_391], %parallel_loop3A_438 {add = true} : memref<4096xf32, #tpu.memory_space<vmem>>[vector<16xi32>], vector<16xf32>,
    } {sc.loop_unroll_factor = 2 : i64, sc.parallel_access}
    %dma_wait3A_186 = arith.constant 4096 : i32
    %dma_wait3A_187 = tpu.memref_slice %arg8[%dma_wait3A_186] : memref<8208xi32, #tpu.memory_space<vmem>> -> memref<4096xi32, #tpu.memory_space<vmem>>
    %dma_wait3A_188 = arith.constant 0 : i32
    %dma_wait3A_189 = tpu.memref_slice %arg3[%dma_wait3A_188] : memref<335872xi32, #tpu.memory_space<hbm>> -> memref<4096xi32, #tpu.memory_space<hbm>>
    %dma_wait3A_190 = arith.constant 4096 : i32
    %dma_wait3A_191 = tpu.memref_slice %arg8[%dma_wait3A_190] : memref<8208xi32, #tpu.memory_space<vmem>> -> memref<4096xi32, #tpu.memory_space<vmem>>
    %dma_wait3A_192 = arith.constant 0 : i32
    %dma_wait3A_193 = tpu.memref_slice %arg3[%dma_wait3A_192] : memref<335872xi32, #tpu.memory_space<hbm>> -> memref<4096xi32, #tpu.memory_space<hbm>>
    tpu.wait_dma2 semaphore(%arg9 : memref<!tpu.dma_semaphore, #tpu.memory_space<semaphore_mem>>) src(%dma_wait3A_193 : memref<4096xi32, #tpu.memory_space<hbm>>) dst(%dma_wait3A_191 : memref<4096xi32, #tpu.memory_space<vmem>>)
    %parallel_loop3A_194 = arith.constant 0 : i32
    %parallel_loop3A_195 = arith.constant 128 : i32
    %parallel_loop3A_196 = arith.constant 1 : i32
    scf.for %parallel_loop3A_373 = %parallel_loop3A_194 to %parallel_loop3A_195 step %parallel_loop3A_196  : i32 {
      %parallel_loop3A_374 = arith.constant 16 : i32
      %parallel_loop3A_375 = arith.muli %parallel_loop3A_373, %parallel_loop3A_374 : i32
      %parallel_loop3A_376 = arith.constant 4096 : i32
      %parallel_loop3A_377 = arith.addi %parallel_loop3A_376, %parallel_loop3A_375 : i32
      %parallel_loop3A_378 = arith.index_cast %parallel_loop3A_377 : i32 to index
      %parallel_loop3A_379 = tpu.vector_load %arg8[%parallel_loop3A_378] {strides = array<i32>} : memref<8208xi32, #tpu.memory_space<vmem>>, vector<16xi32>,
      %parallel_loop3A_380 = arith.constant 16 : i32
      %parallel_loop3A_381 = arith.muli %parallel_loop3A_373, %parallel_loop3A_380 : i32
      %parallel_loop3A_382 = arith.constant 6144 : i32
      %parallel_loop3A_383 = arith.addi %parallel_loop3A_382, %parallel_loop3A_381 : i32
      %parallel_loop3A_384 = arith.index_cast %parallel_loop3A_383 : i32 to index
      %parallel_loop3A_385 = tpu.vector_load %arg8[%parallel_loop3A_384] {strides = array<i32>} : memref<8208xi32, #tpu.memory_space<vmem>>, vector<16xi32>,
      %parallel_loop3A_386 = arith.constant 4095 : i32
      %parallel_loop3A_387 = vector.broadcast %parallel_loop3A_386 : i32 to vector<16xi32>
      %parallel_loop3A_388 = arith.andi %parallel_loop3A_379, %parallel_loop3A_387 : vector<16xi32>
      %parallel_loop3A_389 = arith.constant 16 : i32
      %parallel_loop3A_390 = vector.broadcast %parallel_loop3A_389 : i32 to vector<16xi32>
      %parallel_loop3A_391 = arith.shrui %parallel_loop3A_379, %parallel_loop3A_390 : vector<16xi32>
      %parallel_loop3A_392 = vector.bitcast %parallel_loop3A_385 : vector<16xi32> to vector<16xf32>
      %parallel_loop3A_393 = arith.constant 0 : i32
      %parallel_loop3A_394 = tpu.memref_slice %arg6[%parallel_loop3A_393] : memref<16384xi32, #tpu.memory_space<vmem>> -> memref<4096xi32, #tpu.memory_space<vmem>>
      %parallel_loop3A_395 = tpu.vector_load_idx %parallel_loop3A_394[%parallel_loop3A_388] : memref<4096xi32, #tpu.memory_space<vmem>>[vector<16xi32>], vector<16xi32>,
      %parallel_loop3A_396 = arith.constant 4096 : i32
      %parallel_loop3A_397 = tpu.memref_slice %arg6[%parallel_loop3A_396] : memref<16384xi32, #tpu.memory_space<vmem>> -> memref<4096xi32, #tpu.memory_space<vmem>>
      %parallel_loop3A_398 = tpu.vector_load_idx %parallel_loop3A_397[%parallel_loop3A_388] : memref<4096xi32, #tpu.memory_space<vmem>>[vector<16xi32>], vector<16xi32>,
      %parallel_loop3A_399 = arith.constant 8192 : i32
      %parallel_loop3A_400 = tpu.memref_slice %arg6[%parallel_loop3A_399] : memref<16384xi32, #tpu.memory_space<vmem>> -> memref<4096xi32, #tpu.memory_space<vmem>>
      %parallel_loop3A_401 = tpu.vector_load_idx %parallel_loop3A_400[%parallel_loop3A_388] : memref<4096xi32, #tpu.memory_space<vmem>>[vector<16xi32>], vector<16xi32>,
      %parallel_loop3A_402 = arith.constant 12288 : i32
      %parallel_loop3A_403 = tpu.memref_slice %arg6[%parallel_loop3A_402] : memref<16384xi32, #tpu.memory_space<vmem>> -> memref<4096xi32, #tpu.memory_space<vmem>>
      %parallel_loop3A_404 = tpu.vector_load_idx %parallel_loop3A_403[%parallel_loop3A_388] : memref<4096xi32, #tpu.memory_space<vmem>>[vector<16xi32>], vector<16xi32>,
      %parallel_loop3A_405 = vector.bitcast %parallel_loop3A_395 : vector<16xi32> to vector<32xbf16>
      %parallel_loop3A_406 = tpu.unpack_subelements %parallel_loop3A_405, 0 {pack_format = #tpu.pack_format<interleaved>} : vector<32xbf16> -> vector<16xf32>
      %parallel_loop3A_407 = tpu.unpack_subelements %parallel_loop3A_405, 1 {pack_format = #tpu.pack_format<interleaved>} : vector<32xbf16> -> vector<16xf32>
      %parallel_loop3A_408 = arith.mulf %parallel_loop3A_406, %parallel_loop3A_392 : vector<16xf32>
      %parallel_loop3A_409 = arith.constant 0 : i32
      %parallel_loop3A_410 = tpu.memref_slice %arg7[%parallel_loop3A_409] : memref<32768xf32, #tpu.memory_space<vmem>> -> memref<4096xf32, #tpu.memory_space<vmem>>
      tpu.vector_store_idx %parallel_loop3A_410[%parallel_loop3A_391], %parallel_loop3A_408 {add = true} : memref<4096xf32, #tpu.memory_space<vmem>>[vector<16xi32>], vector<16xf32>,
      %parallel_loop3A_411 = arith.mulf %parallel_loop3A_407, %parallel_loop3A_392 : vector<16xf32>
      %parallel_loop3A_412 = arith.constant 4096 : i32
      %parallel_loop3A_413 = tpu.memref_slice %arg7[%parallel_loop3A_412] : memref<32768xf32, #tpu.memory_space<vmem>> -> memref<4096xf32, #tpu.memory_space<vmem>>
      tpu.vector_store_idx %parallel_loop3A_413[%parallel_loop3A_391], %parallel_loop3A_411 {add = true} : memref<4096xf32, #tpu.memory_space<vmem>>[vector<16xi32>], vector<16xf32>,
      %parallel_loop3A_414 = vector.bitcast %parallel_loop3A_398 : vector<16xi32> to vector<32xbf16>
      %parallel_loop3A_415 = tpu.unpack_subelements %parallel_loop3A_414, 0 {pack_format = #tpu.pack_format<interleaved>} : vector<32xbf16> -> vector<16xf32>
      %parallel_loop3A_416 = tpu.unpack_subelements %parallel_loop3A_414, 1 {pack_format = #tpu.pack_format<interleaved>} : vector<32xbf16> -> vector<16xf32>
      %parallel_loop3A_417 = arith.mulf %parallel_loop3A_415, %parallel_loop3A_392 : vector<16xf32>
      %parallel_loop3A_418 = arith.constant 8192 : i32
      %parallel_loop3A_419 = tpu.memref_slice %arg7[%parallel_loop3A_418] : memref<32768xf32, #tpu.memory_space<vmem>> -> memref<4096xf32, #tpu.memory_space<vmem>>
      tpu.vector_store_idx %parallel_loop3A_419[%parallel_loop3A_391], %parallel_loop3A_417 {add = true} : memref<4096xf32, #tpu.memory_space<vmem>>[vector<16xi32>], vector<16xf32>,
      %parallel_loop3A_420 = arith.mulf %parallel_loop3A_416, %parallel_loop3A_392 : vector<16xf32>
      %parallel_loop3A_421 = arith.constant 12288 : i32
      %parallel_loop3A_422 = tpu.memref_slice %arg7[%parallel_loop3A_421] : memref<32768xf32, #tpu.memory_space<vmem>> -> memref<4096xf32, #tpu.memory_space<vmem>>
      tpu.vector_store_idx %parallel_loop3A_422[%parallel_loop3A_391], %parallel_loop3A_420 {add = true} : memref<4096xf32, #tpu.memory_space<vmem>>[vector<16xi32>], vector<16xf32>,
      %parallel_loop3A_423 = vector.bitcast %parallel_loop3A_401 : vector<16xi32> to vector<32xbf16>
      %parallel_loop3A_424 = tpu.unpack_subelements %parallel_loop3A_423, 0 {pack_format = #tpu.pack_format<interleaved>} : vector<32xbf16> -> vector<16xf32>
      %parallel_loop3A_425 = tpu.unpack_subelements %parallel_loop3A_423, 1 {pack_format = #tpu.pack_format<interleaved>} : vector<32xbf16> -> vector<16xf32>
      %parallel_loop3A_426 = arith.mulf %parallel_loop3A_424, %parallel_loop3A_392 : vector<16xf32>
      %parallel_loop3A_427 = arith.constant 16384 : i32
      %parallel_loop3A_428 = tpu.memref_slice %arg7[%parallel_loop3A_427] : memref<32768xf32, #tpu.memory_space<vmem>> -> memref<4096xf32, #tpu.memory_space<vmem>>
      tpu.vector_store_idx %parallel_loop3A_428[%parallel_loop3A_391], %parallel_loop3A_426 {add = true} : memref<4096xf32, #tpu.memory_space<vmem>>[vector<16xi32>], vector<16xf32>,
      %parallel_loop3A_429 = arith.mulf %parallel_loop3A_425, %parallel_loop3A_392 : vector<16xf32>
      %parallel_loop3A_430 = arith.constant 20480 : i32
      %parallel_loop3A_431 = tpu.memref_slice %arg7[%parallel_loop3A_430] : memref<32768xf32, #tpu.memory_space<vmem>> -> memref<4096xf32, #tpu.memory_space<vmem>>
      tpu.vector_store_idx %parallel_loop3A_431[%parallel_loop3A_391], %parallel_loop3A_429 {add = true} : memref<4096xf32, #tpu.memory_space<vmem>>[vector<16xi32>], vector<16xf32>,
      %parallel_loop3A_432 = vector.bitcast %parallel_loop3A_404 : vector<16xi32> to vector<32xbf16>
      %parallel_loop3A_433 = tpu.unpack_subelements %parallel_loop3A_432, 0 {pack_format = #tpu.pack_format<interleaved>} : vector<32xbf16> -> vector<16xf32>
      %parallel_loop3A_434 = tpu.unpack_subelements %parallel_loop3A_432, 1 {pack_format = #tpu.pack_format<interleaved>} : vector<32xbf16> -> vector<16xf32>
      %parallel_loop3A_435 = arith.mulf %parallel_loop3A_433, %parallel_loop3A_392 : vector<16xf32>
      %parallel_loop3A_436 = arith.constant 24576 : i32
      %parallel_loop3A_437 = tpu.memref_slice %arg7[%parallel_loop3A_436] : memref<32768xf32, #tpu.memory_space<vmem>> -> memref<4096xf32, #tpu.memory_space<vmem>>
      tpu.vector_store_idx %parallel_loop3A_437[%parallel_loop3A_391], %parallel_loop3A_435 {add = true} : memref<4096xf32, #tpu.memory_space<vmem>>[vector<16xi32>], vector<16xf32>,
      %parallel_loop3A_438 = arith.mulf %parallel_loop3A_434, %parallel_loop3A_392 : vector<16xf32>
      %parallel_loop3A_439 = arith.constant 28672 : i32
      %parallel_loop3A_440 = tpu.memref_slice %arg7[%parallel_loop3A_439] : memref<32768xf32, #tpu.memory_space<vmem>> -> memref<4096xf32, #tpu.memory_space<vmem>>
      tpu.vector_store_idx %parallel_loop3A_440[%parallel_loop3A_391], %parallel_loop3A_438 {add = true} : memref<4096xf32, #tpu.memory_space<vmem>>[vector<16xi32>], vector<16xf32>,
    } {sc.loop_unroll_factor = 2 : i64, sc.parallel_access}
    %add3A_197 = arith.constant 0 : i32
    %add3A_198 = arith.addi %mul3A_2, %add3A_197 : i32
    %dma_start3A_199 = arith.constant 0 : i32
    %dma_start3A_200 = tpu.memref_slice %arg7[%dma_start3A_199] : memref<32768xf32, #tpu.memory_space<vmem>> -> memref<4096xf32, #tpu.memory_space<vmem>>
    %dma_start3A_201 = arith.constant 0 : i32
    %dma_start3A_202 = tpu.memref_slice %arg5[%add3A_198, %dma_start3A_201] : memref<256x4096xf32, #tpu.memory_space<hbm>> -> memref<1x4096xf32, #tpu.memory_space<hbm>>
    %dma_start3A_203 = tpu.memref_squeeze %dma_start3A_202 : memref<1x4096xf32, #tpu.memory_space<hbm>> -> memref<4096xf32, #tpu.memory_space<hbm>>
    %dma_start3A_204 = arith.constant 0 : i32
    %dma_start3A_205 = tpu.memref_slice %arg5[%add3A_198, %dma_start3A_204] : memref<256x4096xf32, #tpu.memory_space<hbm>> -> memref<1x4096xf32, #tpu.memory_space<hbm>>
    %dma_start3A_206 = tpu.memref_squeeze %dma_start3A_205 : memref<1x4096xf32, #tpu.memory_space<hbm>> -> memref<4096xf32, #tpu.memory_space<hbm>>
    %dma_start3A_207 = arith.constant 0 : i32
    %dma_start3A_208 = tpu.memref_slice %arg7[%dma_start3A_207] : memref<32768xf32, #tpu.memory_space<vmem>> -> memref<4096xf32, #tpu.memory_space<vmem>>
    tpu.enqueue_dma source(%dma_start3A_208 : memref<4096xf32, #tpu.memory_space<vmem>>) target(%dma_start3A_206 : memref<4096xf32, #tpu.memory_space<hbm>>) target_semaphore(%arg9 : memref<!tpu.dma_semaphore, #tpu.memory_space<semaphore_mem>>)
    %add3A_209 = arith.constant 1 : i32
    %add3A_210 = arith.addi %mul3A_2, %add3A_209 : i32
    %dma_start3A_211 = arith.constant 4096 : i32
    %dma_start3A_212 = tpu.memref_slice %arg7[%dma_start3A_211] : memref<32768xf32, #tpu.memory_space<vmem>> -> memref<4096xf32, #tpu.memory_space<vmem>>
    %dma_start3A_213 = arith.constant 0 : i32
    %dma_start3A_214 = tpu.memref_slice %arg5[%add3A_210, %dma_start3A_213] : memref<256x4096xf32, #tpu.memory_space<hbm>> -> memref<1x4096xf32, #tpu.memory_space<hbm>>
    %dma_start3A_215 = tpu.memref_squeeze %dma_start3A_214 : memref<1x4096xf32, #tpu.memory_space<hbm>> -> memref<4096xf32, #tpu.memory_space<hbm>>
    %dma_start3A_216 = arith.constant 0 : i32
    %dma_start3A_217 = tpu.memref_slice %arg5[%add3A_210, %dma_start3A_216] : memref<256x4096xf32, #tpu.memory_space<hbm>> -> memref<1x4096xf32, #tpu.memory_space<hbm>>
    %dma_start3A_218 = tpu.memref_squeeze %dma_start3A_217 : memref<1x4096xf32, #tpu.memory_space<hbm>> -> memref<4096xf32, #tpu.memory_space<hbm>>
    %dma_start3A_219 = arith.constant 4096 : i32
    %dma_start3A_220 = tpu.memref_slice %arg7[%dma_start3A_219] : memref<32768xf32, #tpu.memory_space<vmem>> -> memref<4096xf32, #tpu.memory_space<vmem>>
    tpu.enqueue_dma source(%dma_start3A_220 : memref<4096xf32, #tpu.memory_space<vmem>>) target(%dma_start3A_218 : memref<4096xf32, #tpu.memory_space<hbm>>) target_semaphore(%arg9 : memref<!tpu.dma_semaphore, #tpu.memory_space<semaphore_mem>>)
    %add3A_221 = arith.constant 2 : i32
    %add3A_222 = arith.addi %mul3A_2, %add3A_221 : i32
    %dma_start3A_223 = arith.constant 8192 : i32
    %dma_start3A_224 = tpu.memref_slice %arg7[%dma_start3A_223] : memref<32768xf32, #tpu.memory_space<vmem>> -> memref<4096xf32, #tpu.memory_space<vmem>>
    %dma_start3A_225 = arith.constant 0 : i32
    %dma_start3A_226 = tpu.memref_slice %arg5[%add3A_222, %dma_start3A_225] : memref<256x4096xf32, #tpu.memory_space<hbm>> -> memref<1x4096xf32, #tpu.memory_space<hbm>>
    %dma_start3A_227 = tpu.memref_squeeze %dma_start3A_226 : memref<1x4096xf32, #tpu.memory_space<hbm>> -> memref<4096xf32, #tpu.memory_space<hbm>>
    %dma_start3A_228 = arith.constant 0 : i32
    %dma_start3A_229 = tpu.memref_slice %arg5[%add3A_222, %dma_start3A_228] : memref<256x4096xf32, #tpu.memory_space<hbm>> -> memref<1x4096xf32, #tpu.memory_space<hbm>>
    %dma_start3A_230 = tpu.memref_squeeze %dma_start3A_229 : memref<1x4096xf32, #tpu.memory_space<hbm>> -> memref<4096xf32, #tpu.memory_space<hbm>>
    %dma_start3A_231 = arith.constant 8192 : i32
    %dma_start3A_232 = tpu.memref_slice %arg7[%dma_start3A_231] : memref<32768xf32, #tpu.memory_space<vmem>> -> memref<4096xf32, #tpu.memory_space<vmem>>
    tpu.enqueue_dma source(%dma_start3A_232 : memref<4096xf32, #tpu.memory_space<vmem>>) target(%dma_start3A_230 : memref<4096xf32, #tpu.memory_space<hbm>>) target_semaphore(%arg9 : memref<!tpu.dma_semaphore, #tpu.memory_space<semaphore_mem>>)
    %add3A_233 = arith.constant 3 : i32
    %add3A_234 = arith.addi %mul3A_2, %add3A_233 : i32
    %dma_start3A_235 = arith.constant 12288 : i32
    %dma_start3A_236 = tpu.memref_slice %arg7[%dma_start3A_235] : memref<32768xf32, #tpu.memory_space<vmem>> -> memref<4096xf32, #tpu.memory_space<vmem>>
    %dma_start3A_237 = arith.constant 0 : i32
    %dma_start3A_238 = tpu.memref_slice %arg5[%add3A_234, %dma_start3A_237] : memref<256x4096xf32, #tpu.memory_space<hbm>> -> memref<1x4096xf32, #tpu.memory_space<hbm>>
    %dma_start3A_239 = tpu.memref_squeeze %dma_start3A_238 : memref<1x4096xf32, #tpu.memory_space<hbm>> -> memref<4096xf32, #tpu.memory_space<hbm>>
    %dma_start3A_240 = arith.constant 0 : i32
    %dma_start3A_241 = tpu.memref_slice %arg5[%add3A_234, %dma_start3A_240] : memref<256x4096xf32, #tpu.memory_space<hbm>> -> memref<1x4096xf32, #tpu.memory_space<hbm>>
    %dma_start3A_242 = tpu.memref_squeeze %dma_start3A_241 : memref<1x4096xf32, #tpu.memory_space<hbm>> -> memref<4096xf32, #tpu.memory_space<hbm>>
    %dma_start3A_243 = arith.constant 12288 : i32
    %dma_start3A_244 = tpu.memref_slice %arg7[%dma_start3A_243] : memref<32768xf32, #tpu.memory_space<vmem>> -> memref<4096xf32, #tpu.memory_space<vmem>>
    tpu.enqueue_dma source(%dma_start3A_244 : memref<4096xf32, #tpu.memory_space<vmem>>) target(%dma_start3A_242 : memref<4096xf32, #tpu.memory_space<hbm>>) target_semaphore(%arg9 : memref<!tpu.dma_semaphore, #tpu.memory_space<semaphore_mem>>)
    %add3A_245 = arith.constant 4 : i32
    %add3A_246 = arith.addi %mul3A_2, %add3A_245 : i32
    %dma_start3A_247 = arith.constant 16384 : i32
    %dma_start3A_248 = tpu.memref_slice %arg7[%dma_start3A_247] : memref<32768xf32, #tpu.memory_space<vmem>> -> memref<4096xf32, #tpu.memory_space<vmem>>
    %dma_start3A_249 = arith.constant 0 : i32
    %dma_start3A_250 = tpu.memref_slice %arg5[%add3A_246, %dma_start3A_249] : memref<256x4096xf32, #tpu.memory_space<hbm>> -> memref<1x4096xf32, #tpu.memory_space<hbm>>
    %dma_start3A_251 = tpu.memref_squeeze %dma_start3A_250 : memref<1x4096xf32, #tpu.memory_space<hbm>> -> memref<4096xf32, #tpu.memory_space<hbm>>
    %dma_start3A_252 = arith.constant 0 : i32
    %dma_start3A_253 = tpu.memref_slice %arg5[%add3A_246, %dma_start3A_252] : memref<256x4096xf32, #tpu.memory_space<hbm>> -> memref<1x4096xf32, #tpu.memory_space<hbm>>
    %dma_start3A_254 = tpu.memref_squeeze %dma_start3A_253 : memref<1x4096xf32, #tpu.memory_space<hbm>> -> memref<4096xf32, #tpu.memory_space<hbm>>
    %dma_start3A_255 = arith.constant 16384 : i32
    %dma_start3A_256 = tpu.memref_slice %arg7[%dma_start3A_255] : memref<32768xf32, #tpu.memory_space<vmem>> -> memref<4096xf32, #tpu.memory_space<vmem>>
    tpu.enqueue_dma source(%dma_start3A_256 : memref<4096xf32, #tpu.memory_space<vmem>>) target(%dma_start3A_254 : memref<4096xf32, #tpu.memory_space<hbm>>) target_semaphore(%arg9 : memref<!tpu.dma_semaphore, #tpu.memory_space<semaphore_mem>>)
    %add3A_257 = arith.constant 5 : i32
    %add3A_258 = arith.addi %mul3A_2, %add3A_257 : i32
    %dma_start3A_259 = arith.constant 20480 : i32
    %dma_start3A_260 = tpu.memref_slice %arg7[%dma_start3A_259] : memref<32768xf32, #tpu.memory_space<vmem>> -> memref<4096xf32, #tpu.memory_space<vmem>>
    %dma_start3A_261 = arith.constant 0 : i32
    %dma_start3A_262 = tpu.memref_slice %arg5[%add3A_258, %dma_start3A_261] : memref<256x4096xf32, #tpu.memory_space<hbm>> -> memref<1x4096xf32, #tpu.memory_space<hbm>>
    %dma_start3A_263 = tpu.memref_squeeze %dma_start3A_262 : memref<1x4096xf32, #tpu.memory_space<hbm>> -> memref<4096xf32, #tpu.memory_space<hbm>>
    %dma_start3A_264 = arith.constant 0 : i32
    %dma_start3A_265 = tpu.memref_slice %arg5[%add3A_258, %dma_start3A_264] : memref<256x4096xf32, #tpu.memory_space<hbm>> -> memref<1x4096xf32, #tpu.memory_space<hbm>>
    %dma_start3A_266 = tpu.memref_squeeze %dma_start3A_265 : memref<1x4096xf32, #tpu.memory_space<hbm>> -> memref<4096xf32, #tpu.memory_space<hbm>>
    %dma_start3A_267 = arith.constant 20480 : i32
    %dma_start3A_268 = tpu.memref_slice %arg7[%dma_start3A_267] : memref<32768xf32, #tpu.memory_space<vmem>> -> memref<4096xf32, #tpu.memory_space<vmem>>
    tpu.enqueue_dma source(%dma_start3A_268 : memref<4096xf32, #tpu.memory_space<vmem>>) target(%dma_start3A_266 : memref<4096xf32, #tpu.memory_space<hbm>>) target_semaphore(%arg9 : memref<!tpu.dma_semaphore, #tpu.memory_space<semaphore_mem>>)
    %add3A_269 = arith.constant 6 : i32
    %add3A_270 = arith.addi %mul3A_2, %add3A_269 : i32
    %dma_start3A_271 = arith.constant 24576 : i32
    %dma_start3A_272 = tpu.memref_slice %arg7[%dma_start3A_271] : memref<32768xf32, #tpu.memory_space<vmem>> -> memref<4096xf32, #tpu.memory_space<vmem>>
    %dma_start3A_273 = arith.constant 0 : i32
    %dma_start3A_274 = tpu.memref_slice %arg5[%add3A_270, %dma_start3A_273] : memref<256x4096xf32, #tpu.memory_space<hbm>> -> memref<1x4096xf32, #tpu.memory_space<hbm>>
    %dma_start3A_275 = tpu.memref_squeeze %dma_start3A_274 : memref<1x4096xf32, #tpu.memory_space<hbm>> -> memref<4096xf32, #tpu.memory_space<hbm>>
    %dma_start3A_276 = arith.constant 0 : i32
    %dma_start3A_277 = tpu.memref_slice %arg5[%add3A_270, %dma_start3A_276] : memref<256x4096xf32, #tpu.memory_space<hbm>> -> memref<1x4096xf32, #tpu.memory_space<hbm>>
    %dma_start3A_278 = tpu.memref_squeeze %dma_start3A_277 : memref<1x4096xf32, #tpu.memory_space<hbm>> -> memref<4096xf32, #tpu.memory_space<hbm>>
    %dma_start3A_279 = arith.constant 24576 : i32
    %dma_start3A_280 = tpu.memref_slice %arg7[%dma_start3A_279] : memref<32768xf32, #tpu.memory_space<vmem>> -> memref<4096xf32, #tpu.memory_space<vmem>>
    tpu.enqueue_dma source(%dma_start3A_280 : memref<4096xf32, #tpu.memory_space<vmem>>) target(%dma_start3A_278 : memref<4096xf32, #tpu.memory_space<hbm>>) target_semaphore(%arg9 : memref<!tpu.dma_semaphore, #tpu.memory_space<semaphore_mem>>)
    %add3A_281 = arith.constant 7 : i32
    %add3A_282 = arith.addi %mul3A_2, %add3A_281 : i32
    %dma_start3A_283 = arith.constant 28672 : i32
    %dma_start3A_284 = tpu.memref_slice %arg7[%dma_start3A_283] : memref<32768xf32, #tpu.memory_space<vmem>> -> memref<4096xf32, #tpu.memory_space<vmem>>
    %dma_start3A_285 = arith.constant 0 : i32
    %dma_start3A_286 = tpu.memref_slice %arg5[%add3A_282, %dma_start3A_285] : memref<256x4096xf32, #tpu.memory_space<hbm>> -> memref<1x4096xf32, #tpu.memory_space<hbm>>
    %dma_start3A_287 = tpu.memref_squeeze %dma_start3A_286 : memref<1x4096xf32, #tpu.memory_space<hbm>> -> memref<4096xf32, #tpu.memory_space<hbm>>
    %dma_start3A_288 = arith.constant 0 : i32
    %dma_start3A_289 = tpu.memref_slice %arg5[%add3A_282, %dma_start3A_288] : memref<256x4096xf32, #tpu.memory_space<hbm>> -> memref<1x4096xf32, #tpu.memory_space<hbm>>
    %dma_start3A_290 = tpu.memref_squeeze %dma_start3A_289 : memref<1x4096xf32, #tpu.memory_space<hbm>> -> memref<4096xf32, #tpu.memory_space<hbm>>
    %dma_start3A_291 = arith.constant 28672 : i32
    %dma_start3A_292 = tpu.memref_slice %arg7[%dma_start3A_291] : memref<32768xf32, #tpu.memory_space<vmem>> -> memref<4096xf32, #tpu.memory_space<vmem>>
    tpu.enqueue_dma source(%dma_start3A_292 : memref<4096xf32, #tpu.memory_space<vmem>>) target(%dma_start3A_290 : memref<4096xf32, #tpu.memory_space<hbm>>) target_semaphore(%arg9 : memref<!tpu.dma_semaphore, #tpu.memory_space<semaphore_mem>>)
    %dma_wait3A_293 = arith.constant 0 : i32
    %dma_wait3A_294 = tpu.memref_slice %arg7[%dma_wait3A_293] : memref<32768xf32, #tpu.memory_space<vmem>> -> memref<4096xf32, #tpu.memory_space<vmem>>
    %dma_wait3A_295 = arith.constant 0 : i32
    %dma_wait3A_296 = tpu.memref_slice %arg5[%add3A_198, %dma_wait3A_295] : memref<256x4096xf32, #tpu.memory_space<hbm>> -> memref<1x4096xf32, #tpu.memory_space<hbm>>
    %dma_wait3A_297 = tpu.memref_squeeze %dma_wait3A_296 : memref<1x4096xf32, #tpu.memory_space<hbm>> -> memref<4096xf32, #tpu.memory_space<hbm>>
    %dma_wait3A_298 = arith.constant 0 : i32
    %dma_wait3A_299 = tpu.memref_slice %arg5[%add3A_198, %dma_wait3A_298] : memref<256x4096xf32, #tpu.memory_space<hbm>> -> memref<1x4096xf32, #tpu.memory_space<hbm>>
    %dma_wait3A_300 = tpu.memref_squeeze %dma_wait3A_299 : memref<1x4096xf32, #tpu.memory_space<hbm>> -> memref<4096xf32, #tpu.memory_space<hbm>>
    %dma_wait3A_301 = arith.constant 0 : i32
    %dma_wait3A_302 = tpu.memref_slice %arg7[%dma_wait3A_301] : memref<32768xf32, #tpu.memory_space<vmem>> -> memref<4096xf32, #tpu.memory_space<vmem>>
    tpu.wait_dma2 semaphore(%arg9 : memref<!tpu.dma_semaphore, #tpu.memory_space<semaphore_mem>>) src(%dma_wait3A_302 : memref<4096xf32, #tpu.memory_space<vmem>>) dst(%dma_wait3A_300 : memref<4096xf32, #tpu.memory_space<hbm>>)
    %dma_wait3A_303 = arith.constant 4096 : i32
    %dma_wait3A_304 = tpu.memref_slice %arg7[%dma_wait3A_303] : memref<32768xf32, #tpu.memory_space<vmem>> -> memref<4096xf32, #tpu.memory_space<vmem>>
    %dma_wait3A_305 = arith.constant 0 : i32
    %dma_wait3A_306 = tpu.memref_slice %arg5[%add3A_210, %dma_wait3A_305] : memref<256x4096xf32, #tpu.memory_space<hbm>> -> memref<1x4096xf32, #tpu.memory_space<hbm>>
    %dma_wait3A_307 = tpu.memref_squeeze %dma_wait3A_306 : memref<1x4096xf32, #tpu.memory_space<hbm>> -> memref<4096xf32, #tpu.memory_space<hbm>>
    %dma_wait3A_308 = arith.constant 0 : i32
    %dma_wait3A_309 = tpu.memref_slice %arg5[%add3A_210, %dma_wait3A_308] : memref<256x4096xf32, #tpu.memory_space<hbm>> -> memref<1x4096xf32, #tpu.memory_space<hbm>>
    %dma_wait3A_310 = tpu.memref_squeeze %dma_wait3A_309 : memref<1x4096xf32, #tpu.memory_space<hbm>> -> memref<4096xf32, #tpu.memory_space<hbm>>
    %dma_wait3A_311 = arith.constant 4096 : i32
    %dma_wait3A_312 = tpu.memref_slice %arg7[%dma_wait3A_311] : memref<32768xf32, #tpu.memory_space<vmem>> -> memref<4096xf32, #tpu.memory_space<vmem>>
    tpu.wait_dma2 semaphore(%arg9 : memref<!tpu.dma_semaphore, #tpu.memory_space<semaphore_mem>>) src(%dma_wait3A_312 : memref<4096xf32, #tpu.memory_space<vmem>>) dst(%dma_wait3A_310 : memref<4096xf32, #tpu.memory_space<hbm>>)
    %dma_wait3A_313 = arith.constant 8192 : i32
    %dma_wait3A_314 = tpu.memref_slice %arg7[%dma_wait3A_313] : memref<32768xf32, #tpu.memory_space<vmem>> -> memref<4096xf32, #tpu.memory_space<vmem>>
    %dma_wait3A_315 = arith.constant 0 : i32
    %dma_wait3A_316 = tpu.memref_slice %arg5[%add3A_222, %dma_wait3A_315] : memref<256x4096xf32, #tpu.memory_space<hbm>> -> memref<1x4096xf32, #tpu.memory_space<hbm>>
    %dma_wait3A_317 = tpu.memref_squeeze %dma_wait3A_316 : memref<1x4096xf32, #tpu.memory_space<hbm>> -> memref<4096xf32, #tpu.memory_space<hbm>>
    %dma_wait3A_318 = arith.constant 0 : i32
    %dma_wait3A_319 = tpu.memref_slice %arg5[%add3A_222, %dma_wait3A_318] : memref<256x4096xf32, #tpu.memory_space<hbm>> -> memref<1x4096xf32, #tpu.memory_space<hbm>>
    %dma_wait3A_320 = tpu.memref_squeeze %dma_wait3A_319 : memref<1x4096xf32, #tpu.memory_space<hbm>> -> memref<4096xf32, #tpu.memory_space<hbm>>
    %dma_wait3A_321 = arith.constant 8192 : i32
    %dma_wait3A_322 = tpu.memref_slice %arg7[%dma_wait3A_321] : memref<32768xf32, #tpu.memory_space<vmem>> -> memref<4096xf32, #tpu.memory_space<vmem>>
    tpu.wait_dma2 semaphore(%arg9 : memref<!tpu.dma_semaphore, #tpu.memory_space<semaphore_mem>>) src(%dma_wait3A_322 : memref<4096xf32, #tpu.memory_space<vmem>>) dst(%dma_wait3A_320 : memref<4096xf32, #tpu.memory_space<hbm>>)
    %dma_wait3A_323 = arith.constant 12288 : i32
    %dma_wait3A_324 = tpu.memref_slice %arg7[%dma_wait3A_323] : memref<32768xf32, #tpu.memory_space<vmem>> -> memref<4096xf32, #tpu.memory_space<vmem>>
    %dma_wait3A_325 = arith.constant 0 : i32
    %dma_wait3A_326 = tpu.memref_slice %arg5[%add3A_234, %dma_wait3A_325] : memref<256x4096xf32, #tpu.memory_space<hbm>> -> memref<1x4096xf32, #tpu.memory_space<hbm>>
    %dma_wait3A_327 = tpu.memref_squeeze %dma_wait3A_326 : memref<1x4096xf32, #tpu.memory_space<hbm>> -> memref<4096xf32, #tpu.memory_space<hbm>>
    %dma_wait3A_328 = arith.constant 0 : i32
    %dma_wait3A_329 = tpu.memref_slice %arg5[%add3A_234, %dma_wait3A_328] : memref<256x4096xf32, #tpu.memory_space<hbm>> -> memref<1x4096xf32, #tpu.memory_space<hbm>>
    %dma_wait3A_330 = tpu.memref_squeeze %dma_wait3A_329 : memref<1x4096xf32, #tpu.memory_space<hbm>> -> memref<4096xf32, #tpu.memory_space<hbm>>
    %dma_wait3A_331 = arith.constant 12288 : i32
    %dma_wait3A_332 = tpu.memref_slice %arg7[%dma_wait3A_331] : memref<32768xf32, #tpu.memory_space<vmem>> -> memref<4096xf32, #tpu.memory_space<vmem>>
    tpu.wait_dma2 semaphore(%arg9 : memref<!tpu.dma_semaphore, #tpu.memory_space<semaphore_mem>>) src(%dma_wait3A_332 : memref<4096xf32, #tpu.memory_space<vmem>>) dst(%dma_wait3A_330 : memref<4096xf32, #tpu.memory_space<hbm>>)
    %dma_wait3A_333 = arith.constant 16384 : i32
    %dma_wait3A_334 = tpu.memref_slice %arg7[%dma_wait3A_333] : memref<32768xf32, #tpu.memory_space<vmem>> -> memref<4096xf32, #tpu.memory_space<vmem>>
    %dma_wait3A_335 = arith.constant 0 : i32
    %dma_wait3A_336 = tpu.memref_slice %arg5[%add3A_246, %dma_wait3A_335] : memref<256x4096xf32, #tpu.memory_space<hbm>> -> memref<1x4096xf32, #tpu.memory_space<hbm>>
    %dma_wait3A_337 = tpu.memref_squeeze %dma_wait3A_336 : memref<1x4096xf32, #tpu.memory_space<hbm>> -> memref<4096xf32, #tpu.memory_space<hbm>>
    %dma_wait3A_338 = arith.constant 0 : i32
    %dma_wait3A_339 = tpu.memref_slice %arg5[%add3A_246, %dma_wait3A_338] : memref<256x4096xf32, #tpu.memory_space<hbm>> -> memref<1x4096xf32, #tpu.memory_space<hbm>>
    %dma_wait3A_340 = tpu.memref_squeeze %dma_wait3A_339 : memref<1x4096xf32, #tpu.memory_space<hbm>> -> memref<4096xf32, #tpu.memory_space<hbm>>
    %dma_wait3A_341 = arith.constant 16384 : i32
    %dma_wait3A_342 = tpu.memref_slice %arg7[%dma_wait3A_341] : memref<32768xf32, #tpu.memory_space<vmem>> -> memref<4096xf32, #tpu.memory_space<vmem>>
    tpu.wait_dma2 semaphore(%arg9 : memref<!tpu.dma_semaphore, #tpu.memory_space<semaphore_mem>>) src(%dma_wait3A_342 : memref<4096xf32, #tpu.memory_space<vmem>>) dst(%dma_wait3A_340 : memref<4096xf32, #tpu.memory_space<hbm>>)
    %dma_wait3A_343 = arith.constant 20480 : i32
    %dma_wait3A_344 = tpu.memref_slice %arg7[%dma_wait3A_343] : memref<32768xf32, #tpu.memory_space<vmem>> -> memref<4096xf32, #tpu.memory_space<vmem>>
    %dma_wait3A_345 = arith.constant 0 : i32
    %dma_wait3A_346 = tpu.memref_slice %arg5[%add3A_258, %dma_wait3A_345] : memref<256x4096xf32, #tpu.memory_space<hbm>> -> memref<1x4096xf32, #tpu.memory_space<hbm>>
    %dma_wait3A_347 = tpu.memref_squeeze %dma_wait3A_346 : memref<1x4096xf32, #tpu.memory_space<hbm>> -> memref<4096xf32, #tpu.memory_space<hbm>>
    %dma_wait3A_348 = arith.constant 0 : i32
    %dma_wait3A_349 = tpu.memref_slice %arg5[%add3A_258, %dma_wait3A_348] : memref<256x4096xf32, #tpu.memory_space<hbm>> -> memref<1x4096xf32, #tpu.memory_space<hbm>>
    %dma_wait3A_350 = tpu.memref_squeeze %dma_wait3A_349 : memref<1x4096xf32, #tpu.memory_space<hbm>> -> memref<4096xf32, #tpu.memory_space<hbm>>
    %dma_wait3A_351 = arith.constant 20480 : i32
    %dma_wait3A_352 = tpu.memref_slice %arg7[%dma_wait3A_351] : memref<32768xf32, #tpu.memory_space<vmem>> -> memref<4096xf32, #tpu.memory_space<vmem>>
    tpu.wait_dma2 semaphore(%arg9 : memref<!tpu.dma_semaphore, #tpu.memory_space<semaphore_mem>>) src(%dma_wait3A_352 : memref<4096xf32, #tpu.memory_space<vmem>>) dst(%dma_wait3A_350 : memref<4096xf32, #tpu.memory_space<hbm>>)
    %dma_wait3A_353 = arith.constant 24576 : i32
    %dma_wait3A_354 = tpu.memref_slice %arg7[%dma_wait3A_353] : memref<32768xf32, #tpu.memory_space<vmem>> -> memref<4096xf32, #tpu.memory_space<vmem>>
    %dma_wait3A_355 = arith.constant 0 : i32
    %dma_wait3A_356 = tpu.memref_slice %arg5[%add3A_270, %dma_wait3A_355] : memref<256x4096xf32, #tpu.memory_space<hbm>> -> memref<1x4096xf32, #tpu.memory_space<hbm>>
    %dma_wait3A_357 = tpu.memref_squeeze %dma_wait3A_356 : memref<1x4096xf32, #tpu.memory_space<hbm>> -> memref<4096xf32, #tpu.memory_space<hbm>>
    %dma_wait3A_358 = arith.constant 0 : i32
    %dma_wait3A_359 = tpu.memref_slice %arg5[%add3A_270, %dma_wait3A_358] : memref<256x4096xf32, #tpu.memory_space<hbm>> -> memref<1x4096xf32, #tpu.memory_space<hbm>>
    %dma_wait3A_360 = tpu.memref_squeeze %dma_wait3A_359 : memref<1x4096xf32, #tpu.memory_space<hbm>> -> memref<4096xf32, #tpu.memory_space<hbm>>
    %dma_wait3A_361 = arith.constant 24576 : i32
    %dma_wait3A_362 = tpu.memref_slice %arg7[%dma_wait3A_361] : memref<32768xf32, #tpu.memory_space<vmem>> -> memref<4096xf32, #tpu.memory_space<vmem>>
    tpu.wait_dma2 semaphore(%arg9 : memref<!tpu.dma_semaphore, #tpu.memory_space<semaphore_mem>>) src(%dma_wait3A_362 : memref<4096xf32, #tpu.memory_space<vmem>>) dst(%dma_wait3A_360 : memref<4096xf32, #tpu.memory_space<hbm>>)
    %dma_wait3A_363 = arith.constant 28672 : i32
    %dma_wait3A_364 = tpu.memref_slice %arg7[%dma_wait3A_363] : memref<32768xf32, #tpu.memory_space<vmem>> -> memref<4096xf32, #tpu.memory_space<vmem>>
    %dma_wait3A_365 = arith.constant 0 : i32
    %dma_wait3A_366 = tpu.memref_slice %arg5[%add3A_282, %dma_wait3A_365] : memref<256x4096xf32, #tpu.memory_space<hbm>> -> memref<1x4096xf32, #tpu.memory_space<hbm>>
    %dma_wait3A_367 = tpu.memref_squeeze %dma_wait3A_366 : memref<1x4096xf32, #tpu.memory_space<hbm>> -> memref<4096xf32, #tpu.memory_space<hbm>>
    %dma_wait3A_368 = arith.constant 0 : i32
    %dma_wait3A_369 = tpu.memref_slice %arg5[%add3A_282, %dma_wait3A_368] : memref<256x4096xf32, #tpu.memory_space<hbm>> -> memref<1x4096xf32, #tpu.memory_space<hbm>>
    %dma_wait3A_370 = tpu.memref_squeeze %dma_wait3A_369 : memref<1x4096xf32, #tpu.memory_space<hbm>> -> memref<4096xf32, #tpu.memory_space<hbm>>
    %dma_wait3A_371 = arith.constant 28672 : i32
    %dma_wait3A_372 = tpu.memref_slice %arg7[%dma_wait3A_371] : memref<32768xf32, #tpu.memory_space<vmem>> -> memref<4096xf32, #tpu.memory_space<vmem>>
    tpu.wait_dma2 semaphore(%arg9 : memref<!tpu.dma_semaphore, #tpu.memory_space<semaphore_mem>>) src(%dma_wait3A_372 : memref<4096xf32, #tpu.memory_space<vmem>>) dst(%dma_wait3A_370 : memref<4096xf32, #tpu.memory_space<hbm>>)
    return
  }
}

</mosaic_0001>

<sc_bundles>
// kernel: kernel.3.cloned.1.call-start
scs
__scs_entry_jumppad:
0x0: {  	(pc) =	sbr.rel $0x88, $3  }
0x1: {  	(tag) =	ssettag $0x0;
	lr =	simm.s32 $0x1  }
0x2: {  	[smem:$0x3F9C] =	sst lr;
	_ =	strace $0xD0000000  }
0x3: {  	_ = 	snop  }
0x4: {  	_ = 	snop  }
0x5: {  	_ = 	snop  }
0x6: {  	_ = 	snop  }
0x7: {  	_ = 	snop  }
__scs_overlays_trampoline_lowered:
0x8: {  	[smem:$0x3FAB] =	sst s0  }
0x9: {  	[smem:$0x3FAC] =	sst s1  }
0xa: {  	[smem:$0x3FAD] =	sst s2  }
0xb: {  	[smem:$0x3FAE] =	sst s3  }
0xc: {  	[smem:$0x3FAF] =	sst s4  }
0xd: {  	[smem:$0x3FB0] =	sst s5  }
0xe: {  	[smem:$0x3FB1] =	sst s6  }
0xf: {  	[smem:$0x3FB2] =	sst s7  }
0x10: {  	[smem:$0x3FB3] =	sst s8  }
0x11: {  	[smem:$0x3FB4] =	sst s9;
	s0 =	simm.s32 @!p0 $0x0  }
0x12: {  	s1 =	sld [smem:$0x3F9A];
	s0 =	simm.s32 @p0 $0x1  }
0x13: {  	[smem:$0x3FB5] =	sst s0;
	s0 =	simm.s32 @!p1 $0x0  }
0x14: {  	s2 =	sld [smem:$0x3F99];
	s0 =	simm.s32 @p1 $0x1  }
0x15: {  	[smem:$0x3FB6] =	sst s0;
	s0 =	simm.s32 @!p2 $0x0  }
0x16: {  	s3 =	sld [smem:$0x3FDB];
	s0 =	simm.s32 @p2 $0x1  }
0x17: {  	s4 =	simm.s32 $0x1BF5;
	[smem:$0x3FB8] =	sst s0  }
0x18: {  	s0 =	sld [smem:$0x3F9B];
	_ =	swait.ge [sflag:s4], $0x0  }
0x19: {  	s7 =	sld [smem:$0x3F9C]  }
0x1a: {  	s8 =	sadd.s32 $0xFFFFE003, lr  }
0x1b: {  	s9 =	sadd.s32 $0xFFFFFEF7, lr;
	s5 =	simm.s32 $0xFFFFFFFF;
	p2 =	slt.u32 s8, $0xFFFFF086  }
0x1c: {  	p1 =	slt.u32 s9, $0xF7A;
	s5 =	simm.s32 @!p2 $0x0  }
0x1d: {  	s5 =	simm.s32 @p1 $0x1;
	p0 =	seq.s32 s7, s2  }
0x1e: {  	s7 =	smul.u32 @!p0 $0xF7A, s2;
	p2 =	seq.s32 @!p0 s5, $0x0  }
0x1f: {  	s9 =	smul.u32 $0xF7A, s1;
	s8 =	simm.s32 @!p0 $0x1BF5;
	p2 =	por !p2, p0  }
0x20: {  	[sflag:s8] =	ssyncset.s32 @!p0 $0xFFFFF086;
	s6 =	sadd.s32 @!p0 s3, s7;
	s7 =	simm.s32 @!p0 $0x108  }
0x21: {  	s3 =	sadd.s32 s3, s9;
	s6 =	sadd.s32 @!p0 $0x88, s6;
	s7 =	simm.s32 @p2 $0x1082  }
0x22: {  	[simem:s7], [sflag:s8] =	dma.local @!p0 [hbm:s6], $0xF7A  }
0x23: {  	s9 =	sor.u32 $0xD0000000, s2;
	s6 =	simm.s32 $0x108;
	_ =	swait.ge @!p0 [sflag:s8], $0x0  }
0x24: {  	s3 =	sadd.s32 $0x88, s3;
	s6 =	simm.s32 @!p1 $0x1082;
	[sflag:s4] =	ssyncset.s32 $0xFFFFF086  }
0x25: {  	[simem:s6], [sflag:s4] =	dma.local [hbm:s3], $0xF7A  }
0x26: {  	[smem:$0x3F9C] =	sst s1;
	(tag) =	ssettag s2;
	_ =	strace s9  }
0x27: {  	s1 =	sld [smem:$0x3FAC]  }
0x28: {  	s2 =	sld [smem:$0x3FAD]  }
0x29: {  	s4 =	sld [smem:$0x3FAF]  }
0x2a: {  	p0 =	seq.s32 s5, $0x0;
	s5 =	sld [smem:$0x3FB0]  }
0x2b: {  	s6 =	sld [smem:$0x3FB1]  }
0x2c: {  	s7 =	sld [smem:$0x3FB2]  }
0x2d: {  	s3 =	simm.s32 $0x108;
	s8 =	sld [smem:$0x3FB3]  }
0x2e: {  	s3 =	simm.s32 @!p0 $0x1082;
	s9 =	sld [smem:$0x3FB4]  }
0x2f: {  	lr =	sadd.s32 s0, s3;
	s0 =	sld [smem:$0x3FAB]  }
0x30: {  	s3 =	sld [smem:$0x3FAE]  }
0x31: {  	[smem:$0x3FB7] =	sst s10  }
0x32: {  	s10 =	sld [smem:$0x3FB5];
	_ =	sdelay $0x3  }
0x33: {  	p0 =	seq.s32 s10, $0x1;
	s10 =	sld [smem:$0x3FB7];
	_ =	sdelay $0x3  }
0x34: {  	[smem:$0x3FB7] =	sst s10  }
0x35: {  	s10 =	sld [smem:$0x3FB6];
	_ =	sdelay $0x3  }
0x36: {  	p1 =	seq.s32 s10, $0x1;
	s10 =	sld [smem:$0x3FB7];
	_ =	sdelay $0x3  }
0x37: {  	[smem:$0x3FB7] =	sst s10  }
0x38: {  	s10 =	sld [smem:$0x3FB8]  }
0x39: {  	_ = 	snop;
	(pc) =	sbr.ind lr, $3  }
0x3a: {  	_ = 	snop  }
0x3b: {  	_ = 	snop  }
0x3c: {  	p2 =	seq.s32 s10, $0x1;
	s10 =	sld [smem:$0x3FB7]  }
0x3d: {  	_ =	shalt  }
0x3e: {  	_ =	shalt  }
0x3f: {  	_ =	shalt  }
0x40: {  	_ =	shalt  }
0x41: {  	_ =	shalt  }
0x42: {  	_ =	shalt  }
0x43: {  	_ =	shalt  }
0x44: {  	_ =	shalt  }
0x45: {  	_ =	shalt  }
0x46: {  	_ =	shalt  }
0x47: {  	_ =	shalt  }
0x48: {  	_ =	shalt  }
0x49: {  	_ =	shalt  }
0x4a: {  	_ =	shalt  }
0x4b: {  	_ =	shalt  }
0x4c: {  	_ =	shalt  }
0x4d: {  	_ =	shalt  }
0x4e: {  	_ =	shalt  }
0x4f: {  	_ =	shalt  }
0x50: {  	_ =	shalt  }
0x51: {  	_ =	shalt  }
0x52: {  	_ =	shalt  }
0x53: {  	_ =	shalt  }
0x54: {  	_ =	shalt  }
0x55: {  	_ =	shalt  }
0x56: {  	_ =	shalt  }
0x57: {  	_ =	shalt  }
0x58: {  	_ =	shalt  }
0x59: {  	_ =	shalt  }
0x5a: {  	_ =	shalt  }
0x5b: {  	_ =	shalt  }
0x5c: {  	_ =	shalt  }
0x5d: {  	_ =	shalt  }
0x5e: {  	_ =	shalt  }
0x5f: {  	_ =	shalt  }
0x60: {  	_ =	shalt  }
0x61: {  	_ =	shalt  }
0x62: {  	_ =	shalt  }
0x63: {  	_ =	shalt  }
0x64: {  	_ =	shalt  }
0x65: {  	_ =	shalt  }
0x66: {  	_ =	shalt  }
0x67: {  	_ =	shalt  }
0x68: {  	_ =	shalt  }
0x69: {  	_ =	shalt  }
0x6a: {  	_ =	shalt  }
0x6b: {  	_ =	shalt  }
0x6c: {  	_ =	shalt  }
0x6d: {  	_ =	shalt  }
0x6e: {  	_ =	shalt  }
0x6f: {  	_ =	shalt  }
0x70: {  	_ =	shalt  }
0x71: {  	_ =	shalt  }
0x72: {  	_ =	shalt  }
0x73: {  	_ =	shalt  }
0x74: {  	_ =	shalt  }
0x75: {  	_ =	shalt  }
0x76: {  	_ =	shalt  }
0x77: {  	_ =	shalt  }
0x78: {  	_ =	shalt  }
0x79: {  	_ =	shalt  }
0x7a: {  	_ =	shalt  }
0x7b: {  	_ =	shalt  }
0x7c: {  	_ =	shalt  }
0x7d: {  	_ =	shalt  }
0x7e: {  	_ =	shalt  }
0x7f: {  	_ =	shalt  }
0x80: {  	_ =	shalt  }
0x81: {  	_ =	shalt  }
0x82: {  	_ =	shalt  }
0x83: {  	_ =	shalt  }
0x84: {  	_ =	shalt  }
0x85: {  	_ =	shalt  }
0x86: {  	_ =	shalt  }
0x87: {  	_ =	shalt  }
.Lfunc_end0:
.L_simem_size_0:
called_computation_lowered:
.L_overlay_start_0:
0x88: {  	s2 =	sld [smem:$0x3FD9]  }
0x89: {  	s3 =	sld [smem:$0x3FFE];
	_ =	sdelay $0x1  }
0x8a: {  	s1 =	srdreg.scid  }
0x8b: {  	s0 =	sand.u32 $0x1, s1  }
0x8c: {  	s17 =	sshll.u32 s0, $0xA;
	s2 =	sadd.s32 s3, s2  }
0x8d: {  	s2 =	sadd.s32 s2, s17  }
0x8e: {  	[smem:$0x3FC3] =	sst s2  }
0x8f: {  	_ = 	snop  }
0x90: {  	s2 =	sld [smem:$0x3FC7]  }
0x91: {  	s18 =	sld [smem:$0x3FD0];
	(tm) =	ssettm $0x1  }
0x92: {  	s4 =	sld [smem:$0x3FFB];
	_ =	sdelay $0x3  }
0x93: {  	_ =	strace s4  }
0x94: {  	s4 =	sld [smem:$0x3FFC];
	_ =	sdelay $0x3  }
0x95: {  	_ =	strace s4  }
0x96: {  	s4 =	sld [smem:$0x3FFD];
	_ =	sdelay $0x3  }
0x97: {  	_ =	strace s4  }
0x98: {  	_ =	strace $0x8FFFFFFF  }
0x99: {  	s19 =	sld [smem:$0x3FDB];
	_ =	sdelay $0x1  }
0x9a: {  	s5 =	simm.s32 $_scs_section_size  }
0x9b: {  	s6 =	simm.s32 $_size__tile_overlayer_lowered;
	s7 =	simm.s32 $_tile_overlayer_lowered  }
0x9c: {  	s22 =	simm.s32 $0x1BFF;
	s21 =	sshll.u32 s7, $0x1;
	s4 =	sadd.s32 s5, s19  }
0x9d: {  	s8 =	simm.s32 $0x0;
	s20 =	sshll.u32 s6, $0x1;
	s6 =	sadd.s32 s21, s4  }
0x9e: {  	[timem:s8], [sflag:s22] =	dma.local [hbm:s6], s20  }
0x9f: {  	_ =	swait.ge [sflag:s22], s20  }
0xa0: {  	s5 =	ssub.s32 $0x0, s20;
	[sflag:s22] =	ssyncset.done $0x0  }
0xa1: {  	[sflag:s22] =	ssyncadd.s32 s5;
	_ =	sdelay $0x1  }
0xa2: {  	s23 =	simm.s32 $0x1B8B  }
0xa3: {  	_ =	swait.ge [sflag:s23], $0x1  }
0xa4: {  	[sflag:s23] =	ssyncset.done $0x0  }
0xa5: {  	s25 =	simm.s32 $0x1B8E;
	s24 =	sld [smem:$0x3FFE];
	[sflag:s23] =	ssyncadd.s32 $0xFFFFFFFF  }
0xa6: {  	s26 =	simm.s32 $execute0_lowered;
	[smem:$0x3FD2] =	sst s25  }
0xa7: {  	s6 =	sshll.u32 s26, $0x1;
	_ =	strace $0x80000046;
	[dreg:$0x1] =	wrdreg $0xFFFFFFFF  }
0xa8: {  	s28 =	simm.s32 $_size_execute0_lowered;
	s4 =	sadd.s32 s4, s6;
	[dreg:$0x0] =	wrdreg $0x0  }
0xa9: {  	s6 =	sshll.u32 s28, $0x1;
	[dreg:$0x2] =	wrdreg s4  }
0xaa: {  	[dreg:$0x3] =	wrdreg s6  }
0xab: {  	[dreg:$0x4] =	wrdreg $0xC0  }
0xac: {  	_ =	task [dreg:s8], $0x5FFFF  }
0xad: {  	[dreg:$0x1] =	wrdreg $0xFFFFFFFF  }
0xae: {  	[dreg:$0x0] =	wrdreg $0x60  }
0xaf: {  	[dreg:$0x2] =	wrdreg s24  }
0xb0: {  	[dreg:$0x3] =	wrdreg s2  }
0xb1: {  	[dreg:$0x4] =	wrdreg s18  }
0xb2: {  	[dreg:$0x5] =	wrdreg $0x9  }
0xb3: {  	_ =	task.clear_ibuf [dreg:s8], $0x6FFFF;
	_ =	strace $0x90000046  }
0xb4: {  	s29 =	simm.s32 $0x9;
	_ =	strace $0x80000048  }
0xb5: {  	_ =	swait.ge [sflag:s29], $0x1  }
0xb6: {  	[sflag:s29] =	ssyncadd.s32 $0xFFFFFFFF  }
0xb7: {  	_ =	strace $0x90000048  }
0xb8: {  	_ =	sfence  }
0xb9: {  	s30 =	sld [smem:$0x0];
	_ =	sdelay $0x2  }
0xba: {  	s31 =	sshll.u32 s1, $0xD;
	s1 =	sshrl.u32 s1, $0x2  }
0xbb: {  	s3 =	sand.u32 $0x4000, s31;
	s1 =	sadd.s32 s1, s30  }
0xbc: {  	s0 =	sor.u32 s3, s0;
	s1 =	sshll.u32 s1, $0x11  }
0xbd: {  	s0 =	sor.u32 s1, s0  }
0xbe: {  	s0 =	sadd.s32 $0x8F2B, s0  }
0xbf: {  	[sflag:s0] =	ssyncadd.remote.s32 $0x1  }
0xc0: {  	_ =	sfence.sel $0xFFFF  }
0xc1: {  	[dreg:$0x0] =	wrdreg $0xFFFFFFFF;
	(pc) =	sbr.abs _section_cstart, $3  }
0xc2: {  	[dreg:$0x1] =	wrdreg $0xFFFFFFFF  }
0xc3: {  	_ =	task.clear_ibuf [dreg:s8], $0x2FFFF;
	_ =	strace $0x9FFFFFFF  }
0xc4: {  	(tm) =	ssettm $0x7FFFFFFF  }
0xc5: {  	_ =	shalt  }
tec
execute0_lowered:
.L_overlay_start_1:
0x0: {  	(tag) =	ssettag $0x1  }
0x1: {  	s0 =	rddreg [dreg:$0x0]  }
0x2: {  	s1 =	rddreg [dreg:$0x1]  }
0x3: {  	s2 =	rddreg [dreg:$0x2];
	s3 =	simm.s32 $0x0  }
0x4: {  	s4 =	srdreg.scid;
	s8 =	stileid.u32;
	s28 =	simm.s32 $0x5000  }
0x5: {  	s29 =	simm.s32 $0x6000;
	s30 =	simm.s32 $0x7000;
	s31 =	simm.s32 $0x8000  }
0x6: {  	[smem:$0x7FF] =	sst s3;
	s4 =	sand.u32 $0x1, s4;
	s6 =	sshll.u32 s8, $0xC  }
0x7: {  	s9 =	sadd.s32 $0x600, s0;
	s18 =	sshll.u32 s8, $0xD;
	s21 =	sadd.s32 $0x800, s0  }
0x8: {  	s11 =	sadd.s32 $0xA00, s0;
	s12 =	sadd.s32 $0xC00, s0;
	s5 =	sshll.u32 s4, $0x6  }
0x9: {  	s8 =	simm.s32 $0x0;
	s7 =	ssub.s32 $0x2, s4;
	s5 =	sor.u32 s5, s6  }
0xa: {  	_ =	strace $0x80000047;
	[dreg:$0x4] =	wrdreg s9;
	s5 =	sadd.s32 s5, s0  }
0xb: {  	s4 =	sshll.u32 s4, $0xC;
	[dreg:$0x9] =	wrdreg s21;
	s17 =	sadd.s32 $0xAA00, s5  }
0xc: {  	s21 =	simm.s32 $0x80;
	s19 =	sadd.s32 $0xAA10, s5;
	[dreg:$0x5] =	wrdreg s17  }
0xd: {  	s4 =	sor.u32 s4, s18;
	s20 =	sadd.s32 $0xAA20, s5;
	[dreg:$0x6] =	wrdreg s19  }
0xe: {  	s10 =	sadd.s32 s2, s4;
	s5 =	sadd.s32 $0xAA30, s5;
	[dreg:$0x7] =	wrdreg s20  }
0xf: {  	s16 =	sshrl.u32 s7, $0x1;
	s22 =	sadd.s32 $0x10, s10;
	[dreg:$0x8] =	wrdreg s5  }
0x10: {  	s6 =	ssub.s32 s7, s16;
	s23 =	sadd.s32 $0x20, s10;
	[dreg:$0xa] =	wrdreg s22  }
0x11: {  	s0 =	simm.s32 $0x9000;
	s24 =	sadd.s32 $0x30, s10;
	[dreg:$0xb] =	wrdreg s23  }
0x12: {  	s2 =	simm.s32 $0xA000;
	s25 =	sadd.s32 $0x40, s10;
	[dreg:$0xc] =	wrdreg s24  }
0x13: {  	s4 =	simm.s32 $0xB000;
	s26 =	sadd.s32 $0x50, s10;
	[dreg:$0xd] =	wrdreg s25  }
0x14: {  	s7 =	simm.s32 $0xD000;
	s18 =	sadd.s32 $0x60, s10;
	[dreg:$0xe] =	wrdreg s26  }
0x15: {  	s19 =	sadd.s32 $0x70, s10;
	s20 =	smax.u32 s6, $0x1;
	s22 =	simm.s32 $0x400  }
0x16: {  	s23 =	simm.s32 $0x1000;
	s24 =	simm.s32 $0x2000;
	s25 =	simm.s32 $0x3000  }
0x17: {  	s26 =	simm.s32 $0x4000;
	s5 =	simm.s32 $0x1;
	s6 =	simm.s32 $0xC000  }
.LBB2_1:
0x18: {  	s9 =	rddreg [dreg:$0x5]  }
0x19: {  	[tilespmem:s3], [sflag:$0x1] =	stream.strided.gather [hbm4b:s9+s21], $0x1000, s22, s21, $0x38;
	[tilespmem:$0xE080] =	vst v63  }
0x1a: {  	s13 =	rddreg [dreg:$0x6]  }
0x1b: {  	[tilespmem:s23], [sflag:$0x1] =	stream.strided.gather [hbm4b:s13+s21], $0x1000, s22, s21, $0x38;
	[tilespmem:$0xE080] =	vst v63  }
0x1c: {  	s14 =	rddreg [dreg:$0x7]  }
0x1d: {  	[tilespmem:s24], [sflag:$0x1] =	stream.strided.gather [hbm4b:s14+s21], $0x1000, s22, s21, $0x38;
	[tilespmem:$0xE080] =	vst v63  }
0x1e: {  	s15 =	rddreg [dreg:$0x8]  }
0x1f: {  	[tilespmem:s25], [sflag:$0x1] =	stream.strided.gather [hbm4b:s15+s21], $0x1000, s22, s21, $0x38;
	[tilespmem:$0xE080] =	vst v63  }
0x20: {  	_ = 	snop  }
0x21: {  	[tilespmem:s26], [sflag:$0x1] =	stream.linear.gather [hbm4b:s1+s3], $0x1000, $0x38;
	[tilespmem:$0xE080] =	vst v63  }
0x22: {  	_ = 	snop  }
0x23: {  	[tilespmem:s28], [sflag:$0x1] =	stream.linear.gather [hbm4b:s1+s3], $0x1000, $0x38;
	[tilespmem:$0xE080] =	vst v63  }
0x24: {  	_ = 	snop  }
0x25: {  	[tilespmem:s29], [sflag:$0x1] =	stream.linear.gather [hbm4b:s1+s3], $0x1000, $0x38;
	[tilespmem:$0xE080] =	vst v63  }
0x26: {  	_ = 	snop  }
0x27: {  	[tilespmem:s30], [sflag:$0x1] =	stream.linear.gather [hbm4b:s1+s3], $0x1000, $0x38;
	[tilespmem:$0xE080] =	vst v63  }
0x28: {  	_ = 	snop  }
0x29: {  	[tilespmem:s31], [sflag:$0x1] =	stream.linear.gather [hbm4b:s1+s3], $0x1000, $0x38;
	[tilespmem:$0xE080] =	vst v63  }
0x2a: {  	_ = 	snop  }
0x2b: {  	[tilespmem:s0], [sflag:$0x1] =	stream.linear.gather [hbm4b:s1+s3], $0x1000, $0x38;
	[tilespmem:$0xE080] =	vst v63  }
0x2c: {  	_ = 	snop  }
0x2d: {  	[tilespmem:s2], [sflag:$0x1] =	stream.linear.gather [hbm4b:s1+s3], $0x1000, $0x38;
	[tilespmem:$0xE080] =	vst v63  }
0x2e: {  	_ = 	snop  }
0x2f: {  	[tilespmem:s4], [sflag:$0x1] =	stream.linear.gather [hbm4b:s1+s3], $0x1000, $0x38;
	[tilespmem:$0xE080] =	vst v63  }
0x30: {  	_ =	swait.ge [sflag:s5], $0x1000  }
0x31: {  	[sflag:s5] =	ssyncset.done $0x0  }
0x32: {  	[sflag:s5] =	ssyncadd.s32 $0xFFFFF000  }
0x33: {  	_ =	swait.ge [sflag:s5], $0x1000  }
0x34: {  	[sflag:s5] =	ssyncset.done $0x0  }
0x35: {  	[sflag:s5] =	ssyncadd.s32 $0xFFFFF000  }
0x36: {  	_ =	swait.ge [sflag:s5], $0x1000  }
0x37: {  	[sflag:s5] =	ssyncset.done $0x0  }
0x38: {  	[sflag:s5] =	ssyncadd.s32 $0xFFFFF000  }
0x39: {  	_ =	swait.ge [sflag:s5], $0x1000  }
0x3a: {  	[sflag:s5] =	ssyncset.done $0x0  }
0x3b: {  	[sflag:s5] =	ssyncadd.s32 $0xFFFFF000  }
0x3c: {  	_ =	swait.ge [sflag:s5], $0x1000  }
0x3d: {  	[sflag:s5] =	ssyncset.done $0x0  }
0x3e: {  	[sflag:s5] =	ssyncadd.s32 $0xFFFFF000  }
0x3f: {  	_ =	swait.ge [sflag:s5], $0x1000  }
0x40: {  	[sflag:s5] =	ssyncset.done $0x0  }
0x41: {  	[sflag:s5] =	ssyncadd.s32 $0xFFFFF000  }
0x42: {  	_ =	swait.ge [sflag:s5], $0x1000  }
0x43: {  	[sflag:s5] =	ssyncset.done $0x0  }
0x44: {  	[sflag:s5] =	ssyncadd.s32 $0xFFFFF000  }
0x45: {  	_ =	swait.ge [sflag:s5], $0x1000  }
0x46: {  	[sflag:s5] =	ssyncset.done $0x0  }
0x47: {  	[sflag:s5] =	ssyncadd.s32 $0xFFFFF000  }
0x48: {  	_ =	swait.ge [sflag:s5], $0x1000  }
0x49: {  	[sflag:s5] =	ssyncset.done $0x0  }
0x4a: {  	[sflag:s5] =	ssyncadd.s32 $0xFFFFF000  }
0x4b: {  	_ =	swait.ge [sflag:s5], $0x1000  }
0x4c: {  	[sflag:s5] =	ssyncset.done $0x0  }
0x4d: {  	[sflag:s5] =	ssyncadd.s32 $0xFFFFF000  }
0x4e: {  	_ =	swait.ge [sflag:s5], $0x1000  }
0x4f: {  	[sflag:s5] =	ssyncset.done $0x0  }
0x50: {  	[sflag:s5] =	ssyncadd.s32 $0xFFFFF000  }
0x51: {  	_ =	swait.ge [sflag:s5], $0x1000  }
0x52: {  	[sflag:s5] =	ssyncset.done $0x0  }
0x53: {  	s16 =	rddreg [dreg:$0x4];
	[sflag:s5] =	ssyncadd.s32 $0xFFFFF000  }
0x54: {  	[tilespmem:s6], [sflag:$0x1] =	stream.linear.gather [hbm4b:s16+s3], $0x1000, $0x38;
	[tilespmem:$0xE080] =	vst v63  }
0x55: {  	s9 =	simm.s32 $0x0;
	s17 =	rddreg [dreg:$0x9]  }
0x56: {  	[tilespmem:s7], [sflag:$0x1] =	stream.linear.gather [hbm4b:s17+s3], $0x1000, $0x38;
	[tilespmem:$0xE080] =	vst v63  }
.LBB2_2:
0x57: {  	_ =	swait.ge [sflag:s5], $0x1000  }
0x58: {  	[sflag:s5] =	ssyncset.done $0x0  }
0x59: {  	s14 =	simm.s32 $0xC000;
	[sflag:s5] =	ssyncadd.s32 $0xFFFFF000  }
0x5a: {  	v0 =	vld [tilespmem:s14+$0x10];
	_ =	sdelay $0x1  }
0x5b: {  	v2 =	vld [tilespmem:s14+$0x0];
	_ =	sdelay $0x2  }
0x5c: {  	v3 =	vand.u32 $0xFFF, v0  }
0x5d: {  	s13 =	simm.s32 $0x0  }
0x5e: {  	s15 =	sand.u32 $0x7E0, s13;
	v4 =	vand.u32 $0xFFF, v2  }
0x5f: {  	v1 =	vld [tilespmem:s15+$0xC800]  }
0x60: {  	v6 =	vld [tilespmem:s14+$0x810]  }
0x61: {  	v5 =	vld.idx.msk [tilespmem:v3+s3+$0x0], $0xffff  }
0x62: {  	v7 =	vld.idx.msk [tilespmem:v3+s23+$0x0], $0xffff  }
0x63: {  	v8 =	vld.idx.msk [tilespmem:v4+s3+$0x0], $0xffff  }
0x64: {  	v9 =	vshrl.u32 v0, $0x10;
	v10 =	vld.idx.msk [tilespmem:v3+s24+$0x0], $0xffff  }
0x65: {  	v11 =	vld.idx.msk [tilespmem:v4+s23+$0x0], $0xffff  }
0x66: {  	v3 =	vld.idx.msk [tilespmem:v3+s25+$0x0], $0xffff;
	v0 =	vunpack.i.l.bf16.f32 v5  }
0x67: {  	v12 =	vld.idx.msk [tilespmem:v4+s24+$0x0], $0xffff;
	v5 =	vunpack.i.u.bf16.f32 v5;
	v0 =	vmul.f32 v0, v6  }
0x68: {  	v13 =	vld.idx.msk [tilespmem:v4+s25+$0x0], $0xffff;
	v4 =	vmul.f32 v5, v6;
	v5 =	vunpack.i.l.bf16.f32 v7  }
0x69: {  	v7 =	vunpack.i.u.bf16.f32 v7;
	v5 =	vmul.f32 v5, v6;
	[tilespmem:v9+s26+$0x0] =	vst.idx.add.f32.msk $0xffff, v0;
	v0 =	vshrl.u32 v2, $0x10  }
0x6a: {  	v2 =	vmul.f32 v7, v6;
	v7 =	vunpack.i.u.bf16.f32 v8;
	[tilespmem:v9+s28+$0x0] =	vst.idx.add.f32.msk $0xffff, v4;
	v4 =	vunpack.i.l.bf16.f32 v10  }
0x6b: {  	v8 =	vunpack.i.l.bf16.f32 v8;
	[tilespmem:v9+s29+$0x0] =	vst.idx.add.f32.msk $0xffff, v5;
	v5 =	vunpack.i.u.bf16.f32 v10;
	v4 =	vmul.f32 v4, v6  }
0x6c: {  	v15 =	vmul.f32 v8, v1;
	[tilespmem:v9+s30+$0x0] =	vst.idx.add.f32.msk $0xffff, v2;
	v2 =	vmul.f32 v5, v6  }
0x6d: {  	v10 =	vunpack.i.u.bf16.f32 v11;
	v5 =	vunpack.i.l.bf16.f32 v3;
	v3 =	vunpack.i.u.bf16.f32 v3;
	[tilespmem:v9+s31+$0x0] =	vst.idx.add.f32.msk $0xffff, v4  }
0x6e: {  	v4 =	vmul.f32 v5, v6;
	v5 =	vunpack.i.l.bf16.f32 v11;
	v11 =	vunpack.i.u.bf16.f32 v12;
	[tilespmem:v9+s0+$0x0] =	vst.idx.add.f32.msk $0xffff, v2  }
0x6f: {  	v14 =	vmul.f32 v3, v6;
	v12 =	vunpack.i.l.bf16.f32 v12;
	v3 =	vmul.f32 v7, v1;
	[tilespmem:v0+s26+$0x0] =	vst.idx.add.f32.msk $0xffff, v15  }
0x70: {  	v8 =	vunpack.i.l.bf16.f32 v13;
	v6 =	vmul.f32 v5, v1;
	v7 =	vmul.f32 v12, v1;
	[tilespmem:v9+s2+$0x0] =	vst.idx.add.f32.msk $0xffff, v4  }
0x71: {  	s14 =	simm.s32 $0x0;
	s15 =	simm.s32 $0xC020;
	v2 =	vunpack.i.u.bf16.f32 v13;
	v5 =	vmul.f32 v11, v1;
	v4 =	vmul.f32 v10, v1;
	[tilespmem:v9+s4+$0x0] =	vst.idx.add.f32.msk $0xffff, v14  }
.LBB2_3:
0x72: {  	v9 =	vld [tilespmem:s15+$0x10];
	v8 =	vmul.f32 v8, v1;
	v1 =	vmul.f32 v2, v1  }
0x73: {  	v2 =	vld [tilespmem:s15+$0x0]  }
0x74: {  	[tilespmem:v0+s28+$0x0] =	vst.idx.add.f32.msk $0xffff, v3  }
0x75: {  	[tilespmem:v0+s29+$0x0] =	vst.idx.add.f32.msk $0xffff, v6  }
0x76: {  	[tilespmem:v0+s30+$0x0] =	vst.idx.add.f32.msk $0xffff, v4  }
0x77: {  	v3 =	vand.u32 $0xFFF, v9;
	[tilespmem:v0+s31+$0x0] =	vst.idx.add.f32.msk $0xffff, v7  }
0x78: {  	v4 =	vshrl.u32 v2, $0x10;
	v2 =	vand.u32 $0xFFF, v2;
	[tilespmem:v0+s0+$0x0] =	vst.idx.add.f32.msk $0xffff, v5  }
0x79: {  	s14 =	sadd.s32 $0x2, s14;
	s13 =	sadd.s32 $0x20, s13;
	[tilespmem:v0+s2+$0x0] =	vst.idx.add.f32.msk $0xffff, v8  }
0x7a: {  	s16 =	sand.u32 $0x7E0, s13;
	p0 =	slt.u32 s14, $0x7E;
	[tilespmem:v0+s4+$0x0] =	vst.idx.add.f32.msk $0xffff, v1;
	v0 =	vmov v4  }
0x7b: {  	v1 =	vld [tilespmem:s16+$0xC800]  }
0x7c: {  	v4 =	vld.idx.msk [tilespmem:v3+s3+$0x0], $0xffff  }
0x7d: {  	v5 =	vld [tilespmem:s15+$0x810]  }
0x7e: {  	v6 =	vld.idx.msk [tilespmem:v3+s23+$0x0], $0xffff  }
0x7f: {  	v7 =	vld.idx.msk [tilespmem:v2+s3+$0x0], $0xffff  }
0x80: {  	v9 =	vshrl.u32 v9, $0x10;
	v8 =	vld.idx.msk [tilespmem:v3+s24+$0x0], $0xffff  }
0x81: {  	v10 =	vld.idx.msk [tilespmem:v2+s23+$0x0], $0xffff  }
0x82: {  	v11 =	vunpack.i.l.bf16.f32 v4;
	v3 =	vld.idx.msk [tilespmem:v3+s25+$0x0], $0xffff  }
0x83: {  	v4 =	vunpack.i.u.bf16.f32 v4;
	v11 =	vmul.f32 v11, v5;
	v12 =	vld.idx.msk [tilespmem:v2+s24+$0x0], $0xffff  }
0x84: {  	v13 =	vld.idx.msk [tilespmem:v2+s25+$0x0], $0xffff;
	v2 =	vmul.f32 v4, v5;
	v4 =	vunpack.i.l.bf16.f32 v6  }
0x85: {  	v14 =	vunpack.i.u.bf16.f32 v7;
	v6 =	vunpack.i.u.bf16.f32 v6;
	[tilespmem:v9+s26+$0x0] =	vst.idx.add.f32.msk $0xffff, v11;
	v4 =	vmul.f32 v4, v5  }
0x86: {  	v7 =	vunpack.i.l.bf16.f32 v7;
	[tilespmem:v9+s28+$0x0] =	vst.idx.add.f32.msk $0xffff, v2;
	v2 =	vmul.f32 v6, v5;
	v6 =	vunpack.i.l.bf16.f32 v8  }
0x87: {  	v11 =	vunpack.i.u.bf16.f32 v10;
	[tilespmem:v9+s29+$0x0] =	vst.idx.add.f32.msk $0xffff, v4;
	v4 =	vunpack.i.u.bf16.f32 v8;
	v6 =	vmul.f32 v6, v5  }
0x88: {  	v10 =	vunpack.i.l.bf16.f32 v10;
	[tilespmem:v9+s30+$0x0] =	vst.idx.add.f32.msk $0xffff, v2;
	v4 =	vmul.f32 v4, v5;
	v2 =	vunpack.i.l.bf16.f32 v3  }
.Ltmp0:
0x89: {  	v15 =	vunpack.i.u.bf16.f32 v12;
	v3 =	vunpack.i.u.bf16.f32 v3;
	[tilespmem:v9+s31+$0x0] =	vst.idx.add.f32.msk $0xffff, v6;
	v6 =	vmul.f32 v2, v5;
	(pc) =	sbr.rel @p0 .LBB2_3-.Ltmp0, $4  }
0x8a: {  	v12 =	vunpack.i.l.bf16.f32 v12;
	v2 =	vunpack.i.u.bf16.f32 v13;
	v5 =	vmul.f32 v3, v5;
	[tilespmem:v9+s0+$0x0] =	vst.idx.add.f32.msk $0xffff, v4  }
0x8b: {  	v7 =	vmul.f32 v7, v1;
	v3 =	vmul.f32 v14, v1;
	v8 =	vunpack.i.l.bf16.f32 v13;
	[tilespmem:v9+s2+$0x0] =	vst.idx.add.f32.msk $0xffff, v6  }
0x8c: {  	v4 =	vmul.f32 v11, v1;
	v6 =	vmul.f32 v10, v1;
	[tilespmem:v9+s4+$0x0] =	vst.idx.add.f32.msk $0xffff, v5  }
0x8d: {  	s15 =	sadd.s32 $0x20, s15;
	v5 =	vmul.f32 v15, v1;
	[tilespmem:v0+s26+$0x0] =	vst.idx.add.f32.msk $0xffff, v7;
	v7 =	vmul.f32 v12, v1  }
0x8e: {  	_ =	sdelay $0x3  }
0x8f: {  	[tilespmem:v0+s28+$0x0] =	vst.idx.add.f32.msk $0xffff, v3  }
0x90: {  	[tilespmem:v0+s29+$0x0] =	vst.idx.add.f32.msk $0xffff, v6  }
0x91: {  	[tilespmem:v0+s30+$0x0] =	vst.idx.add.f32.msk $0xffff, v4  }
0x92: {  	v3 =	vmul.f32 v8, v1;
	[tilespmem:v0+s31+$0x0] =	vst.idx.add.f32.msk $0xffff, v7  }
0x93: {  	v1 =	vmul.f32 v2, v1;
	[tilespmem:v0+s0+$0x0] =	vst.idx.add.f32.msk $0xffff, v5  }
0x94: {  	s13 =	sshll.u32 s9, $0xA;
	[tilespmem:v0+s2+$0x0] =	vst.idx.add.f32.msk $0xffff, v3  }
0x95: {  	s15 =	simm.s32 $0x0;
	s14 =	sadd.s32 s13, s11;
	[tilespmem:v0+s4+$0x0] =	vst.idx.add.f32.msk $0xffff, v1  }
0x96: {  	[tilespmem:s6], [sflag:$0x1] =	stream.linear.gather [hbm4b:s14+s15], $0x1000, $0x38;
	[tilespmem:$0xE080] =	vst v63  }
0x97: {  	_ =	swait.ge [sflag:s5], $0x1000  }
0x98: {  	[sflag:s5] =	ssyncset.done $0x0  }
0x99: {  	s17 =	simm.s32 $0xD810;
	[sflag:s5] =	ssyncadd.s32 $0xFFFFF000  }
0x9a: {  	s15 =	sand.u32 $0x7E0, s15;
	v0 =	vld [tilespmem:s17+$0xFFFFF800]  }
0x9b: {  	v3 =	vld [tilespmem:s15+$0xD000];
	_ =	sdelay $0x3  }
0x9c: {  	v5 =	vand.u32 $0xFFF, v0  }
0x9d: {  	v6 =	vand.u32 $0xFFF, v3;
	_ =	sdelay $0x1  }
0x9e: {  	v2 =	vld [tilespmem:s15+$0xD800]  }
0x9f: {  	v1 =	vld [tilespmem:s17+$0x0]  }
0xa0: {  	v7 =	vld.idx.msk [tilespmem:v5+s3+$0x0], $0xffff  }
0xa1: {  	v8 =	vld.idx.msk [tilespmem:v6+s3+$0x0], $0xffff  }
0xa2: {  	v9 =	vld.idx.msk [tilespmem:v5+s25+$0x0], $0xffff  }
0xa3: {  	v0 =	vshrl.u32 v0, $0x10;
	v10 =	vld.idx.msk [tilespmem:v6+s23+$0x0], $0xffff  }
0xa4: {  	v3 =	vshrl.u32 v3, $0x10;
	v4 =	vld.idx.msk [tilespmem:v5+s24+$0x0], $0xffff  }
0xa5: {  	v11 =	vld.idx.msk [tilespmem:v6+s24+$0x0], $0xffff;
	v12 =	vunpack.i.l.bf16.f32 v7  }
0xa6: {  	v13 =	vld.idx.msk [tilespmem:v6+s25+$0x0], $0xffff;
	v6 =	vunpack.i.u.bf16.f32 v8;
	v8 =	vunpack.i.l.bf16.f32 v8;
	v12 =	vmul.f32 v12, v1  }
0xa7: {  	v5 =	vld.idx.msk [tilespmem:v5+s23+$0x0], $0xffff;
	v7 =	vunpack.i.u.bf16.f32 v7;
	v8 =	vmul.f32 v8, v2  }
0xa8: {  	v15 =	vunpack.i.u.bf16.f32 v10;
	v14 =	vmul.f32 v7, v1;
	v7 =	vunpack.i.u.bf16.f32 v9;
	[tilespmem:v0+s26+$0x0] =	vst.idx.add.f32.msk $0xffff, v12  }
0xa9: {  	v9 =	vunpack.i.l.bf16.f32 v9;
	v12 =	vmul.f32 v6, v2;
	v6 =	vunpack.i.l.bf16.f32 v10;
	[tilespmem:v3+s26+$0x0] =	vst.idx.add.f32.msk $0xffff, v8  }
0xaa: {  	v10 =	vunpack.i.u.bf16.f32 v4;
	[tilespmem:v0+s28+$0x0] =	vst.idx.add.f32.msk $0xffff, v14;
	v8 =	vmul.f32 v6, v2;
	v6 =	vmul.f32 v9, v1  }
0xab: {  	v14 =	vunpack.i.u.bf16.f32 v11;
	v9 =	vunpack.i.l.bf16.f32 v11;
	[tilespmem:v3+s28+$0x0] =	vst.idx.add.f32.msk $0xffff, v12;
	v12 =	vmul.f32 v15, v2  }
0xac: {  	v11 =	vmul.f32 v9, v2;
	v9 =	vunpack.i.l.bf16.f32 v5;
	[tilespmem:v3+s29+$0x0] =	vst.idx.add.f32.msk $0xffff, v8;
	v8 =	vmul.f32 v10, v1  }
0xad: {  	s16 =	simm.s32 $0x20;
	s14 =	simm.s32 $0x0;
	s15 =	simm.s32 $0xD830;
	v10 =	vunpack.i.u.bf16.f32 v13;
	v13 =	vunpack.i.l.bf16.f32 v13;
	[tilespmem:v3+s30+$0x0] =	vst.idx.add.f32.msk $0xffff, v12;
	v12 =	vmul.f32 v14, v2  }
.LBB2_5:
0xae: {  	s17 =	sand.u32 $0x7E0, s16;
	s14 =	sadd.s32 $0x2, s14;
	[tilespmem:v3+s31+$0x0] =	vst.idx.add.f32.msk $0xffff, v11;
	v11 =	vmul.f32 v13, v2;
	v9 =	vmul.f32 v9, v1  }
0xaf: {  	v7 =	vmul.f32 v7, v1;
	p0 =	slt.u32 s14, $0x7E;
	[tilespmem:v3+s0+$0x0] =	vst.idx.add.f32.msk $0xffff, v12  }
0xb0: {  	[tilespmem:v3+s2+$0x0] =	vst.idx.add.f32.msk $0xffff, v11  }
0xb1: {  	v2 =	vmul.f32 v10, v2;
	v5 =	vunpack.i.u.bf16.f32 v5;
	v11 =	vld [tilespmem:s15+$0xFFFFF800]  }
0xb2: {  	v4 =	vunpack.i.l.bf16.f32 v4;
	v5 =	vmul.f32 v5, v1;
	v10 =	vld [tilespmem:s17+$0xD000]  }
0xb3: {  	v1 =	vmul.f32 v4, v1;
	[tilespmem:v3+s4+$0x0] =	vst.idx.add.f32.msk $0xffff, v2  }
0xb4: {  	[tilespmem:v0+s29+$0x0] =	vst.idx.add.f32.msk $0xffff, v9  }
0xb5: {  	[tilespmem:v0+s30+$0x0] =	vst.idx.add.f32.msk $0xffff, v5  }
0xb6: {  	v5 =	vand.u32 $0xFFF, v11;
	[tilespmem:v0+s31+$0x0] =	vst.idx.add.f32.msk $0xffff, v1  }
0xb7: {  	[tilespmem:v0+s0+$0x0] =	vst.idx.add.f32.msk $0xffff, v8  }
0xb8: {  	v8 =	vand.u32 $0xFFF, v10;
	[tilespmem:v0+s2+$0x0] =	vst.idx.add.f32.msk $0xffff, v6  }
0xb9: {  	[tilespmem:v0+s4+$0x0] =	vst.idx.add.f32.msk $0xffff, v7  }
0xba: {  	v2 =	vld [tilespmem:s17+$0xD800]  }
0xbb: {  	v6 =	vld.idx.msk [tilespmem:v5+s3+$0x0], $0xffff  }
0xbc: {  	v1 =	vld [tilespmem:s15+$0x0]  }
0xbd: {  	v7 =	vld.idx.msk [tilespmem:v8+s3+$0x0], $0xffff  }
0xbe: {  	v9 =	vld.idx.msk [tilespmem:v5+s25+$0x0], $0xffff  }
0xbf: {  	v0 =	vshrl.u32 v11, $0x10;
	v12 =	vld.idx.msk [tilespmem:v8+s23+$0x0], $0xffff  }
0xc0: {  	v4 =	vld.idx.msk [tilespmem:v5+s24+$0x0], $0xffff  }
0xc1: {  	v3 =	vshrl.u32 v10, $0x10;
	v11 =	vunpack.i.u.bf16.f32 v6;
	v6 =	vunpack.i.l.bf16.f32 v6;
	v10 =	vld.idx.msk [tilespmem:v8+s24+$0x0], $0xffff  }
0xc2: {  	v6 =	vmul.f32 v6, v1;
	v5 =	vld.idx.msk [tilespmem:v5+s23+$0x0], $0xffff  }
0xc3: {  	v11 =	vmul.f32 v11, v1;
	v13 =	vld.idx.msk [tilespmem:v8+s25+$0x0], $0xffff;
	v8 =	vunpack.i.u.bf16.f32 v7;
	v7 =	vunpack.i.l.bf16.f32 v7  }
0xc4: {  	v14 =	vmul.f32 v7, v2;
	[tilespmem:v0+s26+$0x0] =	vst.idx.add.f32.msk $0xffff, v6;
	v7 =	vunpack.i.u.bf16.f32 v9;
	v6 =	vunpack.i.l.bf16.f32 v9  }
.Ltmp1:
0xc5: {  	v8 =	vmul.f32 v8, v2;
	v9 =	vunpack.i.u.bf16.f32 v12;
	v12 =	vunpack.i.l.bf16.f32 v12;
	[tilespmem:v0+s28+$0x0] =	vst.idx.add.f32.msk $0xffff, v11;
	(pc) =	sbr.rel @p0 .LBB2_5-.Ltmp1, $4  }
0xc6: {  	v11 =	vmul.f32 v12, v2;
	v12 =	vunpack.i.u.bf16.f32 v4;
	v6 =	vmul.f32 v6, v1;
	[tilespmem:v3+s26+$0x0] =	vst.idx.add.f32.msk $0xffff, v14  }
0xc7: {  	v14 =	vmul.f32 v9, v2;
	v15 =	vunpack.i.u.bf16.f32 v10;
	[tilespmem:v3+s28+$0x0] =	vst.idx.add.f32.msk $0xffff, v8;
	v8 =	vunpack.i.l.bf16.f32 v10  }
0xc8: {  	v9 =	vunpack.i.l.bf16.f32 v5;
	[tilespmem:v3+s29+$0x0] =	vst.idx.add.f32.msk $0xffff, v11;
	v11 =	vmul.f32 v8, v2;
	v8 =	vmul.f32 v12, v1  }
0xc9: {  	s16 =	sadd.s32 $0x20, s16;
	s15 =	sadd.s32 $0x20, s15;
	v12 =	vmul.f32 v15, v2;
	v10 =	vunpack.i.u.bf16.f32 v13;
	v13 =	vunpack.i.l.bf16.f32 v13;
	[tilespmem:v3+s30+$0x0] =	vst.idx.add.f32.msk $0xffff, v14  }
0xca: {  	_ =	sdelay $0x3  }
0xcb: {  	[tilespmem:v3+s31+$0x0] =	vst.idx.add.f32.msk $0xffff, v11;
	v60 =	vmul.f32 v13, v2  }
0xcc: {  	v9 =	vmul.f32 v9, v1;
	[tilespmem:v3+s0+$0x0] =	vst.idx.add.f32.msk $0xffff, v12  }
0xcd: {  	v61 =	vmul.f32 v10, v2;
	v5 =	vunpack.i.u.bf16.f32 v5;
	[tilespmem:v3+s2+$0x0] =	vst.idx.add.f32.msk $0xffff, v60  }
0xce: {  	v4 =	vunpack.i.l.bf16.f32 v4;
	v5 =	vmul.f32 v5, v1;
	[tilespmem:v0+s29+$0x0] =	vst.idx.add.f32.msk $0xffff, v9  }
0xcf: {  	s9 =	sadd.s32 $0x1, s9;
	v62 =	vmul.f32 v4, v1;
	[tilespmem:v3+s4+$0x0] =	vst.idx.add.f32.msk $0xffff, v61  }
0xd0: {  	p0 =	sne.s32 s9, $0x28;
	[tilespmem:v0+s30+$0x0] =	vst.idx.add.f32.msk $0xffff, v5  }
.Ltmp2:
0xd1: {  	[tilespmem:v0+s31+$0x0] =	vst.idx.add.f32.msk $0xffff, v62;
	(pc) =	sbr.rel @p0 .LBB2_2-.Ltmp2, $4  }
0xd2: {  	v63 =	vmul.f32 v7, v1;
	[tilespmem:v0+s0+$0x0] =	vst.idx.add.f32.msk $0xffff, v8  }
0xd3: {  	[tilespmem:v0+s2+$0x0] =	vst.idx.add.f32.msk $0xffff, v6  }
0xd4: {  	s13 =	sadd.s32 s13, s12;
	[tilespmem:v0+s4+$0x0] =	vst.idx.add.f32.msk $0xffff, v63  }
0xd5: {  	[tilespmem:s7], [sflag:$0x1] =	stream.linear.gather [hbm4b:s13+s3], $0x1000, $0x38;
	[tilespmem:$0xE080] =	vst v63  }
0xd6: {  	_ =	swait.ge [sflag:s5], $0x1000  }
0xd7: {  	[sflag:s5] =	ssyncset.done $0x0  }
0xd8: {  	s13 =	simm.s32 $0xC000;
	[sflag:s5] =	ssyncadd.s32 $0xFFFFF000  }
0xd9: {  	v0 =	vld [tilespmem:s13+$0x10];
	_ =	sdelay $0x1  }
0xda: {  	v2 =	vld [tilespmem:s13+$0x0];
	_ =	sdelay $0x2  }
0xdb: {  	v3 =	vand.u32 $0xFFF, v0  }
0xdc: {  	s9 =	simm.s32 $0x0  }
0xdd: {  	s14 =	sand.u32 $0x7E0, s9;
	v4 =	vand.u32 $0xFFF, v2  }
0xde: {  	v1 =	vld [tilespmem:s14+$0xC800]  }
0xdf: {  	v6 =	vld [tilespmem:s13+$0x810]  }
0xe0: {  	v5 =	vld.idx.msk [tilespmem:v3+s3+$0x0], $0xffff  }
0xe1: {  	v7 =	vld.idx.msk [tilespmem:v3+s23+$0x0], $0xffff  }
0xe2: {  	v8 =	vld.idx.msk [tilespmem:v4+s3+$0x0], $0xffff  }
0xe3: {  	v9 =	vshrl.u32 v0, $0x10;
	v10 =	vld.idx.msk [tilespmem:v3+s24+$0x0], $0xffff  }
0xe4: {  	v11 =	vld.idx.msk [tilespmem:v4+s23+$0x0], $0xffff  }
0xe5: {  	v3 =	vld.idx.msk [tilespmem:v3+s25+$0x0], $0xffff;
	v0 =	vunpack.i.l.bf16.f32 v5  }
0xe6: {  	v12 =	vld.idx.msk [tilespmem:v4+s24+$0x0], $0xffff;
	v5 =	vunpack.i.u.bf16.f32 v5;
	v0 =	vmul.f32 v0, v6  }
0xe7: {  	v13 =	vld.idx.msk [tilespmem:v4+s25+$0x0], $0xffff;
	v4 =	vmul.f32 v5, v6;
	v5 =	vunpack.i.l.bf16.f32 v7  }
0xe8: {  	v7 =	vunpack.i.u.bf16.f32 v7;
	v5 =	vmul.f32 v5, v6;
	[tilespmem:v9+s26+$0x0] =	vst.idx.add.f32.msk $0xffff, v0;
	v0 =	vshrl.u32 v2, $0x10  }
0xe9: {  	v2 =	vmul.f32 v7, v6;
	v7 =	vunpack.i.u.bf16.f32 v8;
	[tilespmem:v9+s28+$0x0] =	vst.idx.add.f32.msk $0xffff, v4;
	v4 =	vunpack.i.l.bf16.f32 v10  }
0xea: {  	v8 =	vunpack.i.l.bf16.f32 v8;
	[tilespmem:v9+s29+$0x0] =	vst.idx.add.f32.msk $0xffff, v5;
	v5 =	vunpack.i.u.bf16.f32 v10;
	v4 =	vmul.f32 v4, v6  }
0xeb: {  	v15 =	vmul.f32 v8, v1;
	[tilespmem:v9+s30+$0x0] =	vst.idx.add.f32.msk $0xffff, v2;
	v2 =	vmul.f32 v5, v6  }
0xec: {  	v10 =	vunpack.i.u.bf16.f32 v11;
	v5 =	vunpack.i.l.bf16.f32 v3;
	v3 =	vunpack.i.u.bf16.f32 v3;
	[tilespmem:v9+s31+$0x0] =	vst.idx.add.f32.msk $0xffff, v4  }
0xed: {  	v4 =	vmul.f32 v5, v6;
	v5 =	vunpack.i.l.bf16.f32 v11;
	v11 =	vunpack.i.u.bf16.f32 v12;
	[tilespmem:v9+s0+$0x0] =	vst.idx.add.f32.msk $0xffff, v2  }
0xee: {  	v14 =	vmul.f32 v3, v6;
	v12 =	vunpack.i.l.bf16.f32 v12;
	v3 =	vmul.f32 v7, v1;
	[tilespmem:v0+s26+$0x0] =	vst.idx.add.f32.msk $0xffff, v15  }
0xef: {  	v8 =	vunpack.i.l.bf16.f32 v13;
	v6 =	vmul.f32 v5, v1;
	v7 =	vmul.f32 v12, v1;
	[tilespmem:v9+s2+$0x0] =	vst.idx.add.f32.msk $0xffff, v4  }
0xf0: {  	s13 =	simm.s32 $0x0;
	s14 =	simm.s32 $0xC020;
	v2 =	vunpack.i.u.bf16.f32 v13;
	v5 =	vmul.f32 v11, v1;
	v4 =	vmul.f32 v10, v1;
	[tilespmem:v9+s4+$0x0] =	vst.idx.add.f32.msk $0xffff, v14  }
.LBB2_8:
0xf1: {  	v9 =	vld [tilespmem:s14+$0x10];
	v8 =	vmul.f32 v8, v1;
	v1 =	vmul.f32 v2, v1  }
0xf2: {  	v2 =	vld [tilespmem:s14+$0x0]  }
0xf3: {  	[tilespmem:v0+s28+$0x0] =	vst.idx.add.f32.msk $0xffff, v3  }
0xf4: {  	[tilespmem:v0+s29+$0x0] =	vst.idx.add.f32.msk $0xffff, v6  }
0xf5: {  	[tilespmem:v0+s30+$0x0] =	vst.idx.add.f32.msk $0xffff, v4  }
0xf6: {  	v3 =	vand.u32 $0xFFF, v9;
	[tilespmem:v0+s31+$0x0] =	vst.idx.add.f32.msk $0xffff, v7  }
0xf7: {  	v4 =	vshrl.u32 v2, $0x10;
	v2 =	vand.u32 $0xFFF, v2;
	[tilespmem:v0+s0+$0x0] =	vst.idx.add.f32.msk $0xffff, v5  }
0xf8: {  	s13 =	sadd.s32 $0x2, s13;
	s9 =	sadd.s32 $0x20, s9;
	[tilespmem:v0+s2+$0x0] =	vst.idx.add.f32.msk $0xffff, v8  }
0xf9: {  	s15 =	sand.u32 $0x7E0, s9;
	p0 =	slt.u32 s13, $0x7E;
	[tilespmem:v0+s4+$0x0] =	vst.idx.add.f32.msk $0xffff, v1;
	v0 =	vmov v4  }
0xfa: {  	v1 =	vld [tilespmem:s15+$0xC800]  }
0xfb: {  	v4 =	vld.idx.msk [tilespmem:v3+s3+$0x0], $0xffff  }
0xfc: {  	v5 =	vld [tilespmem:s14+$0x810]  }
0xfd: {  	v6 =	vld.idx.msk [tilespmem:v3+s23+$0x0], $0xffff  }
0xfe: {  	v7 =	vld.idx.msk [tilespmem:v2+s3+$0x0], $0xffff  }
0xff: {  	v9 =	vshrl.u32 v9, $0x10;
	v8 =	vld.idx.msk [tilespmem:v3+s24+$0x0], $0xffff  }
0x100: {  	v10 =	vld.idx.msk [tilespmem:v2+s23+$0x0], $0xffff  }
0x101: {  	v11 =	vunpack.i.l.bf16.f32 v4;
	v3 =	vld.idx.msk [tilespmem:v3+s25+$0x0], $0xffff  }
0x102: {  	v4 =	vunpack.i.u.bf16.f32 v4;
	v11 =	vmul.f32 v11, v5;
	v12 =	vld.idx.msk [tilespmem:v2+s24+$0x0], $0xffff  }
0x103: {  	v13 =	vld.idx.msk [tilespmem:v2+s25+$0x0], $0xffff;
	v2 =	vmul.f32 v4, v5;
	v4 =	vunpack.i.l.bf16.f32 v6  }
0x104: {  	v14 =	vunpack.i.u.bf16.f32 v7;
	v6 =	vunpack.i.u.bf16.f32 v6;
	[tilespmem:v9+s26+$0x0] =	vst.idx.add.f32.msk $0xffff, v11;
	v4 =	vmul.f32 v4, v5  }
0x105: {  	v7 =	vunpack.i.l.bf16.f32 v7;
	[tilespmem:v9+s28+$0x0] =	vst.idx.add.f32.msk $0xffff, v2;
	v2 =	vmul.f32 v6, v5;
	v6 =	vunpack.i.l.bf16.f32 v8  }
0x106: {  	v11 =	vunpack.i.u.bf16.f32 v10;
	[tilespmem:v9+s29+$0x0] =	vst.idx.add.f32.msk $0xffff, v4;
	v4 =	vunpack.i.u.bf16.f32 v8;
	v6 =	vmul.f32 v6, v5  }
0x107: {  	v10 =	vunpack.i.l.bf16.f32 v10;
	[tilespmem:v9+s30+$0x0] =	vst.idx.add.f32.msk $0xffff, v2;
	v4 =	vmul.f32 v4, v5;
	v2 =	vunpack.i.l.bf16.f32 v3  }
.Ltmp3:
0x108: {  	v15 =	vunpack.i.u.bf16.f32 v12;
	v3 =	vunpack.i.u.bf16.f32 v3;
	[tilespmem:v9+s31+$0x0] =	vst.idx.add.f32.msk $0xffff, v6;
	v6 =	vmul.f32 v2, v5;
	(pc) =	sbr.rel @p0 .LBB2_8-.Ltmp3, $4  }
0x109: {  	v12 =	vunpack.i.l.bf16.f32 v12;
	v2 =	vunpack.i.u.bf16.f32 v13;
	v5 =	vmul.f32 v3, v5;
	[tilespmem:v9+s0+$0x0] =	vst.idx.add.f32.msk $0xffff, v4  }
0x10a: {  	v7 =	vmul.f32 v7, v1;
	v3 =	vmul.f32 v14, v1;
	v8 =	vunpack.i.l.bf16.f32 v13;
	[tilespmem:v9+s2+$0x0] =	vst.idx.add.f32.msk $0xffff, v6  }
0x10b: {  	v4 =	vmul.f32 v11, v1;
	v6 =	vmul.f32 v10, v1;
	[tilespmem:v9+s4+$0x0] =	vst.idx.add.f32.msk $0xffff, v5  }
0x10c: {  	s14 =	sadd.s32 $0x20, s14;
	v5 =	vmul.f32 v15, v1;
	[tilespmem:v0+s26+$0x0] =	vst.idx.add.f32.msk $0xffff, v7;
	v7 =	vmul.f32 v12, v1  }
0x10d: {  	_ =	sdelay $0x3  }
0x10e: {  	[tilespmem:v0+s28+$0x0] =	vst.idx.add.f32.msk $0xffff, v3  }
0x10f: {  	[tilespmem:v0+s29+$0x0] =	vst.idx.add.f32.msk $0xffff, v6  }
0x110: {  	[tilespmem:v0+s30+$0x0] =	vst.idx.add.f32.msk $0xffff, v4  }
0x111: {  	v3 =	vmul.f32 v8, v1;
	[tilespmem:v0+s31+$0x0] =	vst.idx.add.f32.msk $0xffff, v7  }
0x112: {  	v1 =	vmul.f32 v2, v1;
	[tilespmem:v0+s0+$0x0] =	vst.idx.add.f32.msk $0xffff, v5  }
0x113: {  	[tilespmem:v0+s2+$0x0] =	vst.idx.add.f32.msk $0xffff, v3  }
0x114: {  	[tilespmem:v0+s4+$0x0] =	vst.idx.add.f32.msk $0xffff, v1  }
0x115: {  	_ =	swait.ge [sflag:s5], $0x1000  }
0x116: {  	[sflag:s5] =	ssyncset.done $0x0  }
0x117: {  	s9 =	simm.s32 $0xD810;
	s13 =	simm.s32 $0x0;
	[sflag:s5] =	ssyncadd.s32 $0xFFFFF000  }
0x118: {  	s13 =	sand.u32 $0x7E0, s13;
	v0 =	vld [tilespmem:s9+$0xFFFFF800]  }
0x119: {  	v3 =	vld [tilespmem:s13+$0xD000];
	_ =	sdelay $0x3  }
0x11a: {  	v5 =	vand.u32 $0xFFF, v0  }
0x11b: {  	v6 =	vand.u32 $0xFFF, v3;
	_ =	sdelay $0x1  }
0x11c: {  	v2 =	vld [tilespmem:s13+$0xD800]  }
0x11d: {  	v1 =	vld [tilespmem:s9+$0x0]  }
0x11e: {  	v7 =	vld.idx.msk [tilespmem:v5+s3+$0x0], $0xffff  }
0x11f: {  	v8 =	vld.idx.msk [tilespmem:v6+s3+$0x0], $0xffff  }
0x120: {  	v9 =	vld.idx.msk [tilespmem:v5+s25+$0x0], $0xffff  }
0x121: {  	v0 =	vshrl.u32 v0, $0x10;
	v10 =	vld.idx.msk [tilespmem:v6+s23+$0x0], $0xffff  }
0x122: {  	v3 =	vshrl.u32 v3, $0x10;
	v4 =	vld.idx.msk [tilespmem:v5+s24+$0x0], $0xffff  }
0x123: {  	v11 =	vld.idx.msk [tilespmem:v6+s24+$0x0], $0xffff;
	v12 =	vunpack.i.l.bf16.f32 v7  }
0x124: {  	v13 =	vld.idx.msk [tilespmem:v6+s25+$0x0], $0xffff;
	v6 =	vunpack.i.u.bf16.f32 v8;
	v8 =	vunpack.i.l.bf16.f32 v8;
	v12 =	vmul.f32 v12, v1  }
0x125: {  	v5 =	vld.idx.msk [tilespmem:v5+s23+$0x0], $0xffff;
	v7 =	vunpack.i.u.bf16.f32 v7;
	v8 =	vmul.f32 v8, v2  }
0x126: {  	v15 =	vunpack.i.u.bf16.f32 v10;
	v14 =	vmul.f32 v7, v1;
	v7 =	vunpack.i.u.bf16.f32 v9;
	[tilespmem:v0+s26+$0x0] =	vst.idx.add.f32.msk $0xffff, v12  }
0x127: {  	v9 =	vunpack.i.l.bf16.f32 v9;
	v12 =	vmul.f32 v6, v2;
	v6 =	vunpack.i.l.bf16.f32 v10;
	[tilespmem:v3+s26+$0x0] =	vst.idx.add.f32.msk $0xffff, v8  }
0x128: {  	v10 =	vunpack.i.u.bf16.f32 v4;
	[tilespmem:v0+s28+$0x0] =	vst.idx.add.f32.msk $0xffff, v14;
	v8 =	vmul.f32 v6, v2;
	v6 =	vmul.f32 v9, v1  }
0x129: {  	v14 =	vunpack.i.u.bf16.f32 v11;
	v9 =	vunpack.i.l.bf16.f32 v11;
	[tilespmem:v3+s28+$0x0] =	vst.idx.add.f32.msk $0xffff, v12;
	v12 =	vmul.f32 v15, v2  }
0x12a: {  	v11 =	vmul.f32 v9, v2;
	v9 =	vunpack.i.l.bf16.f32 v5;
	[tilespmem:v3+s29+$0x0] =	vst.idx.add.f32.msk $0xffff, v8;
	v8 =	vmul.f32 v10, v1  }
0x12b: {  	s14 =	simm.s32 $0x20;
	s9 =	simm.s32 $0x0;
	s13 =	simm.s32 $0xD830;
	v10 =	vunpack.i.u.bf16.f32 v13;
	v13 =	vunpack.i.l.bf16.f32 v13;
	[tilespmem:v3+s30+$0x0] =	vst.idx.add.f32.msk $0xffff, v12;
	v12 =	vmul.f32 v14, v2  }
.LBB2_10:
0x12c: {  	s15 =	sand.u32 $0x7E0, s14;
	s9 =	sadd.s32 $0x2, s9;
	[tilespmem:v3+s31+$0x0] =	vst.idx.add.f32.msk $0xffff, v11;
	v11 =	vmul.f32 v13, v2;
	v9 =	vmul.f32 v9, v1  }
0x12d: {  	v7 =	vmul.f32 v7, v1;
	p0 =	slt.u32 s9, $0x7E;
	[tilespmem:v3+s0+$0x0] =	vst.idx.add.f32.msk $0xffff, v12  }
0x12e: {  	[tilespmem:v3+s2+$0x0] =	vst.idx.add.f32.msk $0xffff, v11  }
0x12f: {  	v2 =	vmul.f32 v10, v2;
	v5 =	vunpack.i.u.bf16.f32 v5;
	v11 =	vld [tilespmem:s13+$0xFFFFF800]  }
0x130: {  	v4 =	vunpack.i.l.bf16.f32 v4;
	v5 =	vmul.f32 v5, v1;
	v10 =	vld [tilespmem:s15+$0xD000]  }
0x131: {  	v1 =	vmul.f32 v4, v1;
	[tilespmem:v3+s4+$0x0] =	vst.idx.add.f32.msk $0xffff, v2  }
0x132: {  	[tilespmem:v0+s29+$0x0] =	vst.idx.add.f32.msk $0xffff, v9  }
0x133: {  	[tilespmem:v0+s30+$0x0] =	vst.idx.add.f32.msk $0xffff, v5  }
0x134: {  	v5 =	vand.u32 $0xFFF, v11;
	[tilespmem:v0+s31+$0x0] =	vst.idx.add.f32.msk $0xffff, v1  }
0x135: {  	[tilespmem:v0+s0+$0x0] =	vst.idx.add.f32.msk $0xffff, v8  }
0x136: {  	v8 =	vand.u32 $0xFFF, v10;
	[tilespmem:v0+s2+$0x0] =	vst.idx.add.f32.msk $0xffff, v6  }
0x137: {  	[tilespmem:v0+s4+$0x0] =	vst.idx.add.f32.msk $0xffff, v7  }
0x138: {  	v2 =	vld [tilespmem:s15+$0xD800]  }
0x139: {  	v6 =	vld.idx.msk [tilespmem:v5+s3+$0x0], $0xffff  }
0x13a: {  	v1 =	vld [tilespmem:s13+$0x0]  }
0x13b: {  	v7 =	vld.idx.msk [tilespmem:v8+s3+$0x0], $0xffff  }
0x13c: {  	v9 =	vld.idx.msk [tilespmem:v5+s25+$0x0], $0xffff  }
0x13d: {  	v0 =	vshrl.u32 v11, $0x10;
	v12 =	vld.idx.msk [tilespmem:v8+s23+$0x0], $0xffff  }
0x13e: {  	v4 =	vld.idx.msk [tilespmem:v5+s24+$0x0], $0xffff  }
0x13f: {  	v3 =	vshrl.u32 v10, $0x10;
	v11 =	vunpack.i.u.bf16.f32 v6;
	v6 =	vunpack.i.l.bf16.f32 v6;
	v10 =	vld.idx.msk [tilespmem:v8+s24+$0x0], $0xffff  }
0x140: {  	v6 =	vmul.f32 v6, v1;
	v5 =	vld.idx.msk [tilespmem:v5+s23+$0x0], $0xffff  }
0x141: {  	v11 =	vmul.f32 v11, v1;
	v13 =	vld.idx.msk [tilespmem:v8+s25+$0x0], $0xffff;
	v8 =	vunpack.i.u.bf16.f32 v7;
	v7 =	vunpack.i.l.bf16.f32 v7  }
0x142: {  	v14 =	vmul.f32 v7, v2;
	[tilespmem:v0+s26+$0x0] =	vst.idx.add.f32.msk $0xffff, v6;
	v7 =	vunpack.i.u.bf16.f32 v9;
	v6 =	vunpack.i.l.bf16.f32 v9  }
.Ltmp4:
0x143: {  	v8 =	vmul.f32 v8, v2;
	v9 =	vunpack.i.u.bf16.f32 v12;
	v12 =	vunpack.i.l.bf16.f32 v12;
	[tilespmem:v0+s28+$0x0] =	vst.idx.add.f32.msk $0xffff, v11;
	(pc) =	sbr.rel @p0 .LBB2_10-.Ltmp4, $4  }
0x144: {  	v11 =	vmul.f32 v12, v2;
	v12 =	vunpack.i.u.bf16.f32 v4;
	v6 =	vmul.f32 v6, v1;
	[tilespmem:v3+s26+$0x0] =	vst.idx.add.f32.msk $0xffff, v14  }
0x145: {  	v14 =	vmul.f32 v9, v2;
	v15 =	vunpack.i.u.bf16.f32 v10;
	[tilespmem:v3+s28+$0x0] =	vst.idx.add.f32.msk $0xffff, v8;
	v8 =	vunpack.i.l.bf16.f32 v10  }
0x146: {  	v9 =	vunpack.i.l.bf16.f32 v5;
	[tilespmem:v3+s29+$0x0] =	vst.idx.add.f32.msk $0xffff, v11;
	v11 =	vmul.f32 v8, v2;
	v8 =	vmul.f32 v12, v1  }
0x147: {  	s14 =	sadd.s32 $0x20, s14;
	s13 =	sadd.s32 $0x20, s13;
	v12 =	vmul.f32 v15, v2;
	v10 =	vunpack.i.u.bf16.f32 v13;
	v13 =	vunpack.i.l.bf16.f32 v13;
	[tilespmem:v3+s30+$0x0] =	vst.idx.add.f32.msk $0xffff, v14  }
0x148: {  	_ =	sdelay $0x3  }
0x149: {  	[tilespmem:v3+s31+$0x0] =	vst.idx.add.f32.msk $0xffff, v11;
	v60 =	vmul.f32 v13, v2  }
0x14a: {  	v9 =	vmul.f32 v9, v1;
	[tilespmem:v3+s0+$0x0] =	vst.idx.add.f32.msk $0xffff, v12  }
0x14b: {  	v61 =	vmul.f32 v10, v2;
	v5 =	vunpack.i.u.bf16.f32 v5;
	[tilespmem:v3+s2+$0x0] =	vst.idx.add.f32.msk $0xffff, v60  }
0x14c: {  	v4 =	vunpack.i.l.bf16.f32 v4;
	v5 =	vmul.f32 v5, v1;
	[tilespmem:v0+s29+$0x0] =	vst.idx.add.f32.msk $0xffff, v9  }
0x14d: {  	v62 =	vmul.f32 v4, v1;
	[tilespmem:v3+s4+$0x0] =	vst.idx.add.f32.msk $0xffff, v61  }
0x14e: {  	[tilespmem:v0+s30+$0x0] =	vst.idx.add.f32.msk $0xffff, v5  }
0x14f: {  	[tilespmem:v0+s31+$0x0] =	vst.idx.add.f32.msk $0xffff, v62  }
0x150: {  	v63 =	vmul.f32 v7, v1;
	[tilespmem:v0+s0+$0x0] =	vst.idx.add.f32.msk $0xffff, v8  }
0x151: {  	[tilespmem:v0+s2+$0x0] =	vst.idx.add.f32.msk $0xffff, v6  }
0x152: {  	[tilespmem:v0+s4+$0x0] =	vst.idx.add.f32.msk $0xffff, v63  }
0x153: {  	[hbm4b:s10+s21] =	stream.strided.scatter [tilespmem:s26], [sflag:$0x1], $0x1000, s22, s21, $0x38;
	[tilespmem:$0xE080] =	vst v63  }
0x154: {  	s9 =	rddreg [dreg:$0xa]  }
0x155: {  	[hbm4b:s9+s21] =	stream.strided.scatter [tilespmem:s28], [sflag:$0x1], $0x1000, s22, s21, $0x38;
	[tilespmem:$0xE080] =	vst v63  }
0x156: {  	s14 =	rddreg [dreg:$0xb]  }
0x157: {  	[hbm4b:s14+s21] =	stream.strided.scatter [tilespmem:s29], [sflag:$0x1], $0x1000, s22, s21, $0x38;
	[tilespmem:$0xE080] =	vst v63  }
0x158: {  	s15 =	rddreg [dreg:$0xc]  }
0x159: {  	[hbm4b:s15+s21] =	stream.strided.scatter [tilespmem:s30], [sflag:$0x1], $0x1000, s22, s21, $0x38;
	[tilespmem:$0xE080] =	vst v63  }
0x15a: {  	s16 =	rddreg [dreg:$0xd]  }
0x15b: {  	[hbm4b:s16+s21] =	stream.strided.scatter [tilespmem:s31], [sflag:$0x1], $0x1000, s22, s21, $0x38;
	[tilespmem:$0xE080] =	vst v63  }
0x15c: {  	s17 =	rddreg [dreg:$0xe]  }
0x15d: {  	[hbm4b:s17+s21] =	stream.strided.scatter [tilespmem:s0], [sflag:$0x1], $0x1000, s22, s21, $0x38;
	[tilespmem:$0xE080] =	vst v63  }
0x15e: {  	_ = 	snop  }
0x15f: {  	[hbm4b:s18+s21] =	stream.strided.scatter [tilespmem:s2], [sflag:$0x1], $0x1000, s22, s21, $0x38;
	[tilespmem:$0xE080] =	vst v63  }
0x160: {  	_ = 	snop  }
0x161: {  	[hbm4b:s19+s21] =	stream.strided.scatter [tilespmem:s4], [sflag:$0x1], $0x1000, s22, s21, $0x38;
	[tilespmem:$0xE080] =	vst v63  }
0x162: {  	_ =	swait.ge [sflag:s5], $0x1000  }
0x163: {  	[sflag:s5] =	ssyncset.done $0x0  }
0x164: {  	[sflag:s5] =	ssyncadd.s32 $0xFFFFF000  }
0x165: {  	_ =	swait.ge [sflag:s5], $0x1000  }
0x166: {  	[sflag:s5] =	ssyncset.done $0x0  }
0x167: {  	[sflag:s5] =	ssyncadd.s32 $0xFFFFF000  }
0x168: {  	_ =	swait.ge [sflag:s5], $0x1000  }
0x169: {  	[sflag:s5] =	ssyncset.done $0x0  }
0x16a: {  	[sflag:s5] =	ssyncadd.s32 $0xFFFFF000  }
0x16b: {  	_ =	swait.ge [sflag:s5], $0x1000  }
0x16c: {  	[sflag:s5] =	ssyncset.done $0x0  }
0x16d: {  	[sflag:s5] =	ssyncadd.s32 $0xFFFFF000  }
0x16e: {  	_ =	swait.ge [sflag:s5], $0x1000  }
0x16f: {  	[sflag:s5] =	ssyncset.done $0x0  }
0x170: {  	[sflag:s5] =	ssyncadd.s32 $0xFFFFF000  }
0x171: {  	_ =	swait.ge [sflag:s5], $0x1000  }
0x172: {  	[sflag:s5] =	ssyncset.done $0x0  }
0x173: {  	s8 =	sadd.s32 $0x1, s8;
	[sflag:s5] =	ssyncadd.s32 $0xFFFFF000  }
0x174: {  	p0 =	sne.s32 s8, s20;
	_ =	swait.ge [sflag:s5], $0x1000  }
.Ltmp5:
0x175: {  	[sflag:s5] =	ssyncset.done $0x0;
	(pc) =	sbr.rel @p0 .LBB2_1-.Ltmp5, $4  }
0x176: {  	[sflag:s5] =	ssyncadd.s32 $0xFFFFF000  }
0x177: {  	_ =	swait.ge [sflag:s5], $0x1000  }
0x178: {  	[sflag:s5] =	ssyncset.done $0x0  }
0x179: {  	[sflag:s5] =	ssyncadd.s32 $0xFFFFF000  }
0x17a: {  	_ =	sfence.sel $0x180000  }
0x17b: {  	[bflag:$0x0] =	sbarrier.arrive $0xFFFF  }
0x17c: {  	_ =	strace $0x90000047  }
0x17d: {  	s0 =	stileid.u32;
	[bflag:$0x2] =	sbarrier.arrive $0xFFFF  }
0x17e: {  	p0 =	sne.s32 s0, $0x0;
	s0 =	rddreg [dreg:$0x3]  }
0x17f: {  	s0 =	sadd.s32 @!p0 $0x100000, s0  }
0x180: {  	[sflag:s0] =	ssyncadd.tile.s32 @!p0 $0x1;
	_ =	shalt  }
.Lfunc_end2:
_tile_overlayer_lowered:
.L_overlay_start_2:
0x181: {  	(tag) =	ssettag $0x2  }
0x182: {  	s0 =	rddreg [dreg:$0x0];
	s2 =	stileid.u32  }
0x183: {  	s1 =	rddreg [dreg:$0x1];
	p0 =	sne.s32 s2, $0x0  }
0x184: {  	s3 =	rddreg [dreg:$0x2];
	[bflag:$0x3] =	sbarrier.arrive $0xFFFF;
	s2 =	simm.s32 @!p0 $0x1C02  }
0x185: {  	[timem:s3], [sflag:s2] =	dma.local @!p0 [hbm:s0], s1  }
0x186: {  	s0 =	simm.s32 @!p0 $0x2  }
0x187: {  	_ =	swait.ge @!p0 [sflag:s0], s1  }
0x188: {  	s1 =	ssub.s32 @!p0 $0x0, s1;
	[sflag:s0] =	ssyncset.done @!p0 $0x0  }
0x189: {  	[sflag:s0] =	ssyncadd.s32 @!p0 s1  }
0x18a: {  	[bflag:$0x3] =	sbarrier.arrive $0xFFFF  }
0x18b: {  	_ =	shalt  }

</sc_bundles>
